<compile_context>
chip_gen: v7x
topology: tpu7x:2x2x1
jax: 0.10.2.dev20260603
libtpu: 0.0.44.dev20260713+nightly
codegen_flags: <defaults>
</compile_context>

<pallas_src>
import functools

import jax
import jax.numpy as jnp
from jax import lax
from jax.experimental import pallas as pl
from jax.experimental.pallas import tpu as pltpu
from jax.experimental.pallas import tpu_sc as plsc

N = 10000
E = 320000
D = 128
H = 16
B = 64
NC = 2
NS = 16
NW = NC * NS
NPAD = 10240
EW = E // NW
C = 128
K = 4 * (-(-EW // (4 * C)))
KX = K + 4
EWP = KX * C
SLAB = NPAD // NS

F32 = jnp.float32


def _proj_body(x_ref, wl_ref, wr_ref, p_ref, q_ref):
    x = x_ref[...]
    p_ref[...] = jnp.dot(x, wl_ref[...], preferred_element_type=F32)
    q_ref[...] = jnp.dot(x, wr_ref[...], preferred_element_type=F32)


def _proj(x, WlT, WrT):
    G = 10
    return pl.pallas_call(
        _proj_body,
        grid=(G,),
        in_specs=[
            pl.BlockSpec((N // G, D), lambda i: (i, 0)),
            pl.BlockSpec((D, H), lambda i: (0, 0)),
            pl.BlockSpec((D, H), lambda i: (0, 0)),
        ],
        out_specs=[
            pl.BlockSpec((N // G, H), lambda i: (i, 0)),
            pl.BlockSpec((N // G, H), lambda i: (i, 0)),
        ],
        out_shape=[jax.ShapeDtypeStruct((N, H), F32)] * 2,
    )(x, WlT, WrT)


def _edge_pipeline(table, src_v, dst_v, acc_s, bufs, gsems, ssems,
                   count_fn=None):
    def g(j, b):
        pltpu.async_copy(table.at[src_v.at[j]], bufs[b], gsems[b])

    def gwait(b):
        pltpu.make_async_copy(table.at[src_v.at[0]], bufs[b],
                              gsems[b]).wait()

    for b in range(4):
        g(b, b)

    def grp(t, carry):
        j0 = 4 * t
        for b in range(4):
            j = j0 + b
            gwait(b)
            pltpu.sync_copy(bufs[b], acc_s.at[dst_v.at[j]], add=True)
            if count_fn is not None:
                count_fn(j)
            g(j + 4, b)
        return carry

    lax.fori_loop(0, K // 4, grp, 0)
    for b in range(4):
        gwait(b)


def _sc_edges_count_body(table, srcp, dstp, zrows, zcnt, ones,
                         acc_out, cnt_out,
                         src_v, dst_v, r0_v, r1_v, r2_v, r3_v, ones_v,
                         acc_s, cnt_s,
                         g0, g1, g2, g3, s0, s1, s2, s3):
    cid = lax.axis_index("c")
    sid = lax.axis_index("s")
    w = sid * NC + cid
    base = sid * SLAB

    pltpu.sync_copy(zrows, acc_s.at[pl.ds(base, SLAB)])
    pltpu.sync_copy(zcnt, cnt_s.at[pl.ds(base, SLAB)])
    pltpu.sync_copy(ones, ones_v)
    pltpu.sync_copy(srcp.at[w], src_v)
    pltpu.sync_copy(dstp.at[w], dst_v)
    plsc.subcore_barrier()

    def count(j):
        pltpu.sync_copy(ones_v, cnt_s.at[dst_v.at[j]], add=True)

    _edge_pipeline(table, src_v, dst_v, acc_s, (r0_v, r1_v, r2_v, r3_v),
                   (g0, g1, g2, g3), (s0, s1, s2, s3), count)
    plsc.subcore_barrier()

    pltpu.sync_copy(acc_s.at[pl.ds(base, SLAB)],
                    acc_out.at[cid, pl.ds(base, SLAB)])
    pltpu.sync_copy(cnt_s.at[pl.ds(base, SLAB)],
                    cnt_out.at[cid, pl.ds(base, SLAB)])


def _sc_edges_body(table, srcp, dstp, zrows,
                   acc_out,
                   src_v, dst_v, r0_v, r1_v, r2_v, r3_v, acc_s,
                   g0, g1, g2, g3, s0, s1, s2, s3):
    cid = lax.axis_index("c")
    sid = lax.axis_index("s")
    w = sid * NC + cid
    base = sid * SLAB

    pltpu.sync_copy(zrows, acc_s.at[pl.ds(base, SLAB)])
    pltpu.sync_copy(srcp.at[w], src_v)
    pltpu.sync_copy(dstp.at[w], dst_v)
    plsc.subcore_barrier()

    _edge_pipeline(table, src_v, dst_v, acc_s, (r0_v, r1_v, r2_v, r3_v),
                   (g0, g1, g2, g3), (s0, s1, s2, s3))
    plsc.subcore_barrier()

    pltpu.sync_copy(acc_s.at[pl.ds(base, SLAB)],
                    acc_out.at[cid, pl.ds(base, SLAB)])


_SC_MESH = plsc.VectorSubcoreMesh(core_axis_name="c", subcore_axis_name="s")
_SC_PARAMS = pltpu.CompilerParams(use_tc_tiling_on_sc=False)


def _sc_edges_count(table, srcp, dstp, zrows, zcnt, ones):
    fn = pl.kernel(
        _sc_edges_count_body,
        out_type=[
            jax.ShapeDtypeStruct((NC, NPAD, H), F32),
            jax.ShapeDtypeStruct((NC, NPAD), F32),
        ],
        mesh=_SC_MESH,
        scratch_types=[
            pltpu.VMEM((KX, C), jnp.int32),
            pltpu.VMEM((KX, C), jnp.int32),
            pltpu.VMEM((C, H), F32),
            pltpu.VMEM((C, H), F32),
            pltpu.VMEM((C, H), F32),
            pltpu.VMEM((C, H), F32),
            pltpu.VMEM((C,), F32),
            pltpu.VMEM_SHARED((NPAD, H), F32),
            pltpu.VMEM_SHARED((NPAD,), F32),
        ] + [pltpu.SemaphoreType.DMA] * 8,
        compiler_params=_SC_PARAMS,
    )
    return fn(table, srcp, dstp, zrows, zcnt, ones)


def _sc_edges(table, srcp, dstp, zrows):
    fn = pl.kernel(
        _sc_edges_body,
        out_type=jax.ShapeDtypeStruct((NC, NPAD, H), F32),
        mesh=_SC_MESH,
        scratch_types=[
            pltpu.VMEM((KX, C), jnp.int32),
            pltpu.VMEM((KX, C), jnp.int32),
            pltpu.VMEM((C, H), F32),
            pltpu.VMEM((C, H), F32),
            pltpu.VMEM((C, H), F32),
            pltpu.VMEM((C, H), F32),
            pltpu.VMEM_SHARED((NPAD, H), F32),
        ] + [pltpu.SemaphoreType.DMA] * 8,
        compiler_params=_SC_PARAMS,
    )
    return fn(table, srcp, dstp, zrows)


def _mid_body(acc_ref, cnt_ref, q_ref, bl1_ref, g1_ref, b1_ref,
              wl2_ref, wr2_ref, bl2_ref, p2_ref, q2_ref):
    acc = (acc_ref[0] + acc_ref[1])[:N]
    cnt = (cnt_ref[0] + cnt_ref[1])[:N]
    mean = acc / jnp.maximum(cnt, 1.0)
    h = jax.nn.relu(mean + bl1_ref[...] + q_ref[...])
    m = jnp.mean(h, axis=0, keepdims=True)
    v = jnp.mean((h - m) * (h - m), axis=0, keepdims=True)
    h = (h - m) * jax.lax.rsqrt(v + 1e-5) * g1_ref[...] + b1_ref[...]
    p2_ref[...] = jnp.dot(h, wl2_ref[...], preferred_element_type=F32)
    q2_ref[...] = jnp.dot(h, wr2_ref[...], preferred_element_type=F32) \
        + bl2_ref[...]


def _mid(acc, cnt, q1, bl1, g1, b1, Wl2T, Wr2T, bl2):
    return pl.pallas_call(
        _mid_body,
        out_shape=[jax.ShapeDtypeStruct((N, H), F32)] * 2,
    )(acc, cnt, q1, bl1, g1, b1, Wl2T, Wr2T, bl2)


def _bn_rows(x, g, b):
    m = jnp.mean(x, axis=0, keepdims=True)
    v = jnp.mean((x - m) * (x - m), axis=0, keepdims=True)
    return (x - m) * jax.lax.rsqrt(v + 1e-5) * g + b


def _softmax(z):
    z = z - jnp.max(z, axis=1, keepdims=True)
    e = jnp.exp(z)
    return e / jnp.sum(e, axis=1, keepdims=True)


def _head_body(acc_ref, cnt_ref, q2_ref, batch_ref,
               waT_ref, ba_ref, gn1_ref, bn1_ref,
               wbT_ref, bb_ref, gn2_ref, bn2_ref,
               wcT_ref, bc_ref, gn3_ref, bn3_ref,
               wxT_ref, bx_ref, wyT_ref, by_ref, wrotT_ref, brot_ref,
               xx_ref, y_ref, rot_ref):
    acc = (acc_ref[0] + acc_ref[1])[:N]
    cnt = (cnt_ref[0] + cnt_ref[1])[:N]
    mean = acc / jnp.maximum(cnt, 1.0)
    h2 = jax.nn.relu(mean + q2_ref[...])

    onehot = (batch_ref[...] ==
              lax.broadcasted_iota(jnp.int32, (1, B), 1)).astype(F32)
    h2e = jnp.concatenate([h2, jnp.ones((N, 1), F32)], axis=1)
    sums = lax.dot_general(onehot, h2e, (((0,), (0,)), ((), ())),
                           preferred_element_type=F32)
    x_enc = sums[:, :H] / jnp.maximum(sums[:, H:H + 1], 1.0)

    t = _bn_rows(x_enc, gn1_ref[...], bn1_ref[...])
    t = jax.nn.relu(jnp.dot(t, waT_ref[...], preferred_element_type=F32)
                    + ba_ref[...])
    comb = jnp.concatenate([t, x_enc], axis=1)
    t = _bn_rows(comb, gn2_ref[...], bn2_ref[...])
    t = jax.nn.relu(jnp.dot(t, wbT_ref[...], preferred_element_type=F32)
                    + bb_ref[...])
    comb = jnp.concatenate([t, x_enc], axis=1)
    t = _bn_rows(comb, gn3_ref[...], bn3_ref[...])
    t = jax.nn.relu(jnp.dot(t, wcT_ref[...], preferred_element_type=F32)
                    + bc_ref[...])
    xx_ref[...] = _softmax(jnp.dot(t, wxT_ref[...],
                                   preferred_element_type=F32) + bx_ref[...])
    y_ref[...] = _softmax(jnp.dot(t, wyT_ref[...],
                                  preferred_element_type=F32) + by_ref[...])
    rot_ref[...] = _softmax(jnp.dot(t, wrotT_ref[...],
                                    preferred_element_type=F32) + brot_ref[...])


def _head(acc, cnt, q2, batch2d, args):
    return pl.pallas_call(
        _head_body,
        out_shape=[
            jax.ShapeDtypeStruct((B, 16), F32),
            jax.ShapeDtypeStruct((B, 16), F32),
            jax.ShapeDtypeStruct((B, 4), F32),
        ],
    )(acc, cnt, q2, batch2d, *args)


def kernel(x, edge_index, batch, Wl1, bl1, Wr1, g1, b1, Wl2, bl2, Wr2,
           Wa, ba, gn1, bn1, Wb, bb, gn2, bn2, Wc, bc, gn3, bn3,
           Wx, bx, Wy, by, Wrot, brot):
    row = lambda a: a.reshape(1, -1)

    src = edge_index[0].reshape(NW, EW)
    dst = edge_index[1].reshape(NW, EW)
    srcp = jnp.pad(src, ((0, 0), (0, EWP - EW))).reshape(NW, KX, C)
    dstp = jnp.pad(dst, ((0, 0), (0, EWP - EW)),
                   constant_values=N).reshape(NW, KX, C)
    zrows = jnp.zeros((SLAB, H), F32)
    zcnt = jnp.zeros((SLAB,), F32)
    ones = jnp.ones((C,), F32)

    p1, q1 = _proj(x, Wl1.T, Wr1.T)
    acc1, cnt = _sc_edges_count(p1, srcp, dstp, zrows, zcnt, ones)
    cnt3 = cnt[..., None]
    p2, q2 = _mid(acc1, cnt3, q1, row(bl1), row(g1), row(b1),
                  Wl2.T, Wr2.T, row(bl2))
    acc2 = _sc_edges(p2, srcp, dstp, zrows)
    head_args = (Wa.T, row(ba), row(gn1), row(bn1),
                 Wb.T, row(bb), row(gn2), row(bn2),
                 Wc.T, row(bc), row(gn3), row(bn3),
                 Wx.T, row(bx), Wy.T, row(by), Wrot.T, row(brot))
    return _head(acc2, cnt3, q2, batch.reshape(N, 1), head_args)

# --- scband reference (transcript-rebuilt; emitter-appended) ---
"""Pipeline reference for scband-d2-rlactor-64304250356440 (READ-ONLY COPY).

The authoritative reference and input builder live on the scoring server;
editing this copy changes nothing except your own understanding.
"""

import jax, jax.numpy as jnp
import numpy as np

N = 10000
E = 320000
D = 128
H = 16
B = 64
ODX = 16
ODY = 16

def _mk(key, shape, scale=0.1):
    return jax.random.normal(key, shape, dtype=jnp.float32) * scale

def setup_inputs(seed: int = 0):
    key = jax.random.key(seed)
    ks = jax.random.split(key, 16)
    inp = {}
    inp["x"] = jax.random.normal(ks[0], (N, D), dtype=jnp.float32)
    inp["edge_index"] = jax.random.randint(ks[1], (2, E), 0, N, dtype=jnp.int32)
    inp["batch"] = jnp.sort(jax.random.randint(ks[2], (N,), 0, B, dtype=jnp.int32))
    inp["Wl1"] = _mk(ks[3], (H, D)); inp["bl1"] = jnp.zeros((H,), jnp.float32); inp["Wr1"] = _mk(ks[4], (H, D))
    inp["g1"] = jnp.ones((H,), jnp.float32); inp["b1"] = jnp.zeros((H,), jnp.float32)
    inp["Wl2"] = _mk(ks[5], (H, H)); inp["bl2"] = jnp.zeros((H,), jnp.float32); inp["Wr2"] = _mk(ks[6], (H, H))
    inp["Wa"] = _mk(ks[7], (16, 16)); inp["ba"] = jnp.zeros((16,), jnp.float32)
    inp["gn1"] = jnp.ones((16,), jnp.float32); inp["bn1"] = jnp.zeros((16,), jnp.float32)
    inp["Wb"] = _mk(ks[8], (16, 32)); inp["bb"] = jnp.zeros((16,), jnp.float32)
    inp["gn2"] = jnp.ones((32,), jnp.float32); inp["bn2"] = jnp.zeros((32,), jnp.float32)
    inp["Wc"] = _mk(ks[9], (16, 32)); inp["bc"] = jnp.zeros((16,), jnp.float32)
    inp["gn3"] = jnp.ones((32,), jnp.float32); inp["bn3"] = jnp.zeros((32,), jnp.float32)
    inp["Wx"] = _mk(ks[10], (ODX, 16)); inp["bx"] = jnp.zeros((ODX,), jnp.float32)
    inp["Wy"] = _mk(ks[11], (ODY, 16)); inp["by"] = jnp.zeros((ODY,), jnp.float32)
    inp["Wrot"] = _mk(ks[12], (4, 16)); inp["brot"] = jnp.zeros((4,), jnp.float32)
    return inp

def _bn(x, g, b):
    m = jnp.mean(x, axis=0)
    v = jnp.var(x, axis=0)
    return (x - m) / jnp.sqrt(v + 1e-5) * g + b

def _sage(x, src, dst, Wl, bl, Wr, n):
    msg = jnp.take(x, src, axis=0)
    s = jax.ops.segment_sum(msg, dst, num_segments=n)
    c = jax.ops.segment_sum(jnp.ones((src.shape[0],), x.dtype), dst, num_segments=n)
    mean = s / jnp.clip(c, 1.0)[:, None]
    return mean @ Wl.T + bl + x @ Wr.T

def _seg_mean(x, ids, n):
    s = jax.ops.segment_sum(x, ids, num_segments=n)
    c = jax.ops.segment_sum(jnp.ones((x.shape[0],), x.dtype), ids, num_segments=n)
    return s / jnp.clip(c, 1.0)[:, None]

def reference(x, edge_index, batch, Wl1, bl1, Wr1, g1, b1, Wl2, bl2, Wr2, Wa, ba, gn1, bn1, Wb, bb, gn2, bn2, Wc, bc, gn3, bn3, Wx, bx, Wy, by, Wrot, brot):
    src = edge_index[0]
    dst = edge_index[1]
    h = jax.nn.relu(_sage(x, src, dst, Wl1, bl1, Wr1, x.shape[0]))
    h = _bn(h, g1, b1)
    h = jax.nn.relu(_sage(h, src, dst, Wl2, bl2, Wr2, x.shape[0]))
    x_enc = _seg_mean(h, batch, B)
    t = _bn(x_enc, gn1, bn1)
    t = jax.nn.relu(t @ Wa.T + ba)
    comb = jnp.concatenate([t, x_enc], axis=1)
    t = _bn(comb, gn2, bn2)
    t = jax.nn.relu(t @ Wb.T + bb)
    comb = jnp.concatenate([t, x_enc], axis=1)
    t = _bn(comb, gn3, bn3)
    t = jax.nn.relu(t @ Wc.T + bc)
    xx = jax.nn.softmax(t @ Wx.T + bx, axis=1)
    y = jax.nn.softmax(t @ Wy.T + by, axis=1)
    rot = jax.nn.softmax(t @ Wrot.T + brot, axis=1)
    return (xx, y, rot)

if __name__ == "__main__":
    import jax
    _d = setup_inputs()
    print(jax.jit(kernel)(*tuple(_d.values())))

</pallas_src>

<mosaic_0001>
#map = affine_map<(d0, d1) -> (0, 0)>
#map1 = affine_map<(d0, d1) -> (0, 0, 0)>
#map2 = affine_map<(d0, d1) -> (0)>
module attributes {stable_mosaic.version = 14 : i64} {
  func.func @_sc_edges_count_body(%arg0: i32, %arg1: i32, %arg2: memref<10000x16xf32, #tpu.memory_space<hbm>>, %arg3: memref<32x84x128xi32, #tpu.memory_space<hbm>>, %arg4: memref<32x84x128xi32, #tpu.memory_space<hbm>>, %arg5: memref<640x16xf32, #tpu.memory_space<hbm>>, %arg6: memref<640xf32, #tpu.memory_space<hbm>>, %arg7: memref<128xf32, #tpu.memory_space<hbm>>, %arg8: memref<2x10240x16xf32, #tpu.memory_space<hbm>>, %arg9: memref<2x10240xf32, #tpu.memory_space<hbm>>, %arg10: memref<84x128xi32, #tpu.memory_space<vmem>>, %arg11: memref<84x128xi32, #tpu.memory_space<vmem>>, %arg12: memref<128x16xf32, #tpu.memory_space<vmem>>, %arg13: memref<128x16xf32, #tpu.memory_space<vmem>>, %arg14: memref<128x16xf32, #tpu.memory_space<vmem>>, %arg15: memref<128x16xf32, #tpu.memory_space<vmem>>, %arg16: memref<128xf32, #tpu.memory_space<vmem>>, %arg17: memref<10240x16xf32, #tpu.memory_space<vmem_shared>>, %arg18: memref<10240xf32, #tpu.memory_space<vmem_shared>>, %arg19: memref<!tpu.dma_semaphore, #tpu.memory_space<semaphore_mem>>, %arg20: memref<!tpu.dma_semaphore, #tpu.memory_space<semaphore_mem>>, %arg21: memref<!tpu.dma_semaphore, #tpu.memory_space<semaphore_mem>>, %arg22: memref<!tpu.dma_semaphore, #tpu.memory_space<semaphore_mem>>, %arg23: memref<!tpu.dma_semaphore, #tpu.memory_space<semaphore_mem>>, %arg24: memref<!tpu.dma_semaphore, #tpu.memory_space<semaphore_mem>>, %arg25: memref<!tpu.dma_semaphore, #tpu.memory_space<semaphore_mem>>, %arg26: memref<!tpu.dma_semaphore, #tpu.memory_space<semaphore_mem>>) attributes {dimension_semantics = [#tpu.dimension_semantics<core_parallel>, #tpu.dimension_semantics<subcore_parallel>], iteration_bounds = array<i64: 2, 16>, scalar_prefetch = 0 : i64, scratch_operands = 17 : i64, tpu.core_type = #tpu.core_type<sc_vector_subcore>, window_params = [{transform_indices = #map}, {transform_indices = #map1}, {transform_indices = #map1}, {transform_indices = #map}, {transform_indices = #map2}, {transform_indices = #map2}, {transform_indices = #map1}, {transform_indices = #map}]} {
    %mul3A = arith.constant 2 : i32
    %mul3A_0 = arith.muli %arg1, %mul3A : i32
    %add3A = arith.addi %mul3A_0, %arg0 : i32
    %mul3A_1 = arith.constant 640 : i32
    %mul3A_2 = arith.muli %arg1, %mul3A_1 : i32
    "tpu.region"() ({
      %run_scoped3A = tpu.sem_alloc : memref<!tpu.dma_semaphore, #tpu.memory_space<semaphore_mem>>
      %dma_start3A_63 = arith.constant 0 : i32
      %dma_start3A_64 = tpu.memref_slice %arg17[%mul3A_2, %dma_start3A_63] : memref<10240x16xf32, #tpu.memory_space<vmem_shared>> -> memref<640x16xf32, #tpu.memory_space<vmem_shared>>
      tpu.enqueue_dma source(%arg5 : memref<640x16xf32, #tpu.memory_space<hbm>>) target(%dma_start3A_64 : memref<640x16xf32, #tpu.memory_space<vmem_shared>>) target_semaphore(%run_scoped3A : memref<!tpu.dma_semaphore, #tpu.memory_space<semaphore_mem>>)
      %dma_wait3A_65 = arith.constant 0 : i32
      %dma_wait3A_66 = tpu.memref_slice %arg17[%mul3A_2, %dma_wait3A_65] : memref<10240x16xf32, #tpu.memory_space<vmem_shared>> -> memref<640x16xf32, #tpu.memory_space<vmem_shared>>
      tpu.wait_dma2 semaphore(%run_scoped3A : memref<!tpu.dma_semaphore, #tpu.memory_space<semaphore_mem>>) src(%arg5 : memref<640x16xf32, #tpu.memory_space<hbm>>) dst(%dma_wait3A_66 : memref<640x16xf32, #tpu.memory_space<vmem_shared>>)
      tpu.yield
    }) : () -> ()
    "tpu.region"() ({
      %run_scoped3A = tpu.sem_alloc : memref<!tpu.dma_semaphore, #tpu.memory_space<semaphore_mem>>
      %dma_start3A_63 = tpu.memref_slice %arg18[%mul3A_2] : memref<10240xf32, #tpu.memory_space<vmem_shared>> -> memref<640xf32, #tpu.memory_space<vmem_shared>>
      tpu.enqueue_dma source(%arg6 : memref<640xf32, #tpu.memory_space<hbm>>) target(%dma_start3A_63 : memref<640xf32, #tpu.memory_space<vmem_shared>>) target_semaphore(%run_scoped3A : memref<!tpu.dma_semaphore, #tpu.memory_space<semaphore_mem>>)
      %dma_wait3A_64 = tpu.memref_slice %arg18[%mul3A_2] : memref<10240xf32, #tpu.memory_space<vmem_shared>> -> memref<640xf32, #tpu.memory_space<vmem_shared>>
      tpu.wait_dma2 semaphore(%run_scoped3A : memref<!tpu.dma_semaphore, #tpu.memory_space<semaphore_mem>>) src(%arg6 : memref<640xf32, #tpu.memory_space<hbm>>) dst(%dma_wait3A_64 : memref<640xf32, #tpu.memory_space<vmem_shared>>)
      tpu.yield
    }) : () -> ()
    "tpu.region"() ({
      %run_scoped3A = tpu.sem_alloc : memref<!tpu.dma_semaphore, #tpu.memory_space<semaphore_mem>>
      tpu.enqueue_dma source(%arg7 : memref<128xf32, #tpu.memory_space<hbm>>) target(%arg16 : memref<128xf32, #tpu.memory_space<vmem>>) target_semaphore(%run_scoped3A : memref<!tpu.dma_semaphore, #tpu.memory_space<semaphore_mem>>)
      tpu.wait_dma2 semaphore(%run_scoped3A : memref<!tpu.dma_semaphore, #tpu.memory_space<semaphore_mem>>) src(%arg7 : memref<128xf32, #tpu.memory_space<hbm>>) dst(%arg16 : memref<128xf32, #tpu.memory_space<vmem>>)
      tpu.yield
    }) : () -> ()
    "tpu.region"() ({
      %run_scoped3A = tpu.sem_alloc : memref<!tpu.dma_semaphore, #tpu.memory_space<semaphore_mem>>
      %dma_start3A_63 = arith.constant 0 : i32
      %dma_start3A_64 = arith.constant 0 : i32
      %dma_start3A_65 = tpu.memref_slice %arg3[%add3A, %dma_start3A_63, %dma_start3A_64] : memref<32x84x128xi32, #tpu.memory_space<hbm>> -> memref<1x84x128xi32, #tpu.memory_space<hbm>>
      %dma_start3A_66 = tpu.memref_squeeze %dma_start3A_65 : memref<1x84x128xi32, #tpu.memory_space<hbm>> -> memref<84x128xi32, #tpu.memory_space<hbm>>
      %dma_start3A_67 = arith.constant 0 : i32
      %dma_start3A_68 = arith.constant 0 : i32
      %dma_start3A_69 = tpu.memref_slice %arg3[%add3A, %dma_start3A_67, %dma_start3A_68] : memref<32x84x128xi32, #tpu.memory_space<hbm>> -> memref<1x84x128xi32, #tpu.memory_space<hbm>>
      %dma_start3A_70 = tpu.memref_squeeze %dma_start3A_69 : memref<1x84x128xi32, #tpu.memory_space<hbm>> -> memref<84x128xi32, #tpu.memory_space<hbm>>
      tpu.enqueue_dma source(%dma_start3A_70 : memref<84x128xi32, #tpu.memory_space<hbm>>) target(%arg10 : memref<84x128xi32, #tpu.memory_space<vmem>>) target_semaphore(%run_scoped3A : memref<!tpu.dma_semaphore, #tpu.memory_space<semaphore_mem>>)
      %dma_wait3A_71 = arith.constant 0 : i32
      %dma_wait3A_72 = arith.constant 0 : i32
      %dma_wait3A_73 = tpu.memref_slice %arg3[%add3A, %dma_wait3A_71, %dma_wait3A_72] : memref<32x84x128xi32, #tpu.memory_space<hbm>> -> memref<1x84x128xi32, #tpu.memory_space<hbm>>
      %dma_wait3A_74 = tpu.memref_squeeze %dma_wait3A_73 : memref<1x84x128xi32, #tpu.memory_space<hbm>> -> memref<84x128xi32, #tpu.memory_space<hbm>>
      %dma_wait3A_75 = arith.constant 0 : i32
      %dma_wait3A_76 = arith.constant 0 : i32
      %dma_wait3A_77 = tpu.memref_slice %arg3[%add3A, %dma_wait3A_75, %dma_wait3A_76] : memref<32x84x128xi32, #tpu.memory_space<hbm>> -> memref<1x84x128xi32, #tpu.memory_space<hbm>>
      %dma_wait3A_78 = tpu.memref_squeeze %dma_wait3A_77 : memref<1x84x128xi32, #tpu.memory_space<hbm>> -> memref<84x128xi32, #tpu.memory_space<hbm>>
      tpu.wait_dma2 semaphore(%run_scoped3A : memref<!tpu.dma_semaphore, #tpu.memory_space<semaphore_mem>>) src(%dma_wait3A_78 : memref<84x128xi32, #tpu.memory_space<hbm>>) dst(%arg10 : memref<84x128xi32, #tpu.memory_space<vmem>>)
      tpu.yield
    }) : () -> ()
    "tpu.region"() ({
      %run_scoped3A = tpu.sem_alloc : memref<!tpu.dma_semaphore, #tpu.memory_space<semaphore_mem>>
      %dma_start3A_63 = arith.constant 0 : i32
      %dma_start3A_64 = arith.constant 0 : i32
      %dma_start3A_65 = tpu.memref_slice %arg4[%add3A, %dma_start3A_63, %dma_start3A_64] : memref<32x84x128xi32, #tpu.memory_space<hbm>> -> memref<1x84x128xi32, #tpu.memory_space<hbm>>
      %dma_start3A_66 = tpu.memref_squeeze %dma_start3A_65 : memref<1x84x128xi32, #tpu.memory_space<hbm>> -> memref<84x128xi32, #tpu.memory_space<hbm>>
      %dma_start3A_67 = arith.constant 0 : i32
      %dma_start3A_68 = arith.constant 0 : i32
      %dma_start3A_69 = tpu.memref_slice %arg4[%add3A, %dma_start3A_67, %dma_start3A_68] : memref<32x84x128xi32, #tpu.memory_space<hbm>> -> memref<1x84x128xi32, #tpu.memory_space<hbm>>
      %dma_start3A_70 = tpu.memref_squeeze %dma_start3A_69 : memref<1x84x128xi32, #tpu.memory_space<hbm>> -> memref<84x128xi32, #tpu.memory_space<hbm>>
      tpu.enqueue_dma source(%dma_start3A_70 : memref<84x128xi32, #tpu.memory_space<hbm>>) target(%arg11 : memref<84x128xi32, #tpu.memory_space<vmem>>) target_semaphore(%run_scoped3A : memref<!tpu.dma_semaphore, #tpu.memory_space<semaphore_mem>>)
      %dma_wait3A_71 = arith.constant 0 : i32
      %dma_wait3A_72 = arith.constant 0 : i32
      %dma_wait3A_73 = tpu.memref_slice %arg4[%add3A, %dma_wait3A_71, %dma_wait3A_72] : memref<32x84x128xi32, #tpu.memory_space<hbm>> -> memref<1x84x128xi32, #tpu.memory_space<hbm>>
      %dma_wait3A_74 = tpu.memref_squeeze %dma_wait3A_73 : memref<1x84x128xi32, #tpu.memory_space<hbm>> -> memref<84x128xi32, #tpu.memory_space<hbm>>
      %dma_wait3A_75 = arith.constant 0 : i32
      %dma_wait3A_76 = arith.constant 0 : i32
      %dma_wait3A_77 = tpu.memref_slice %arg4[%add3A, %dma_wait3A_75, %dma_wait3A_76] : memref<32x84x128xi32, #tpu.memory_space<hbm>> -> memref<1x84x128xi32, #tpu.memory_space<hbm>>
      %dma_wait3A_78 = tpu.memref_squeeze %dma_wait3A_77 : memref<1x84x128xi32, #tpu.memory_space<hbm>> -> memref<84x128xi32, #tpu.memory_space<hbm>>
      tpu.wait_dma2 semaphore(%run_scoped3A : memref<!tpu.dma_semaphore, #tpu.memory_space<semaphore_mem>>) src(%dma_wait3A_78 : memref<84x128xi32, #tpu.memory_space<hbm>>) dst(%arg11 : memref<84x128xi32, #tpu.memory_space<vmem>>)
      tpu.yield
    }) : () -> ()
    %barrier3A = arith.constant 0 : index
    tpu.barrier barrier_id(%barrier3A)
    %dma_start3A = arith.constant 0 : i32
    %dma_start3A_3 = arith.constant 0 : i32
    %dma_start3A_4 = tpu.memref_slice %arg10[%dma_start3A, %dma_start3A_3] : memref<84x128xi32, #tpu.memory_space<vmem>> -> memref<1x128xi32, #tpu.memory_space<vmem>>
    %dma_start3A_5 = tpu.memref_squeeze %dma_start3A_4 : memref<1x128xi32, #tpu.memory_space<vmem>> -> memref<128xi32, #tpu.memory_space<vmem>>
    %dma_start3A_6 = arith.constant 0 : i32
    %dma_start3A_7 = arith.constant 0 : i32
    %dma_start3A_8 = tpu.memref_slice %arg2[%dma_start3A_6, %dma_start3A_7] : memref<10000x16xf32, #tpu.memory_space<hbm>> -> memref<10000x16xf32, #tpu.memory_space<hbm>>
    tpu.enqueue_indirect_dma source(%dma_start3A_8 : memref<10000x16xf32, #tpu.memory_space<hbm>>) target(%arg12 : memref<128x16xf32, #tpu.memory_space<vmem>>) offsets(%dma_start3A_5 : memref<128xi32, #tpu.memory_space<vmem>>) semaphore(%arg19 : memref<!tpu.dma_semaphore, #tpu.memory_space<semaphore_mem>>)
    %dma_start3A_9 = arith.constant 1 : i32
    %dma_start3A_10 = arith.constant 0 : i32
    %dma_start3A_11 = tpu.memref_slice %arg10[%dma_start3A_9, %dma_start3A_10] : memref<84x128xi32, #tpu.memory_space<vmem>> -> memref<1x128xi32, #tpu.memory_space<vmem>>
    %dma_start3A_12 = tpu.memref_squeeze %dma_start3A_11 : memref<1x128xi32, #tpu.memory_space<vmem>> -> memref<128xi32, #tpu.memory_space<vmem>>
    %dma_start3A_13 = arith.constant 0 : i32
    %dma_start3A_14 = arith.constant 0 : i32
    %dma_start3A_15 = tpu.memref_slice %arg2[%dma_start3A_13, %dma_start3A_14] : memref<10000x16xf32, #tpu.memory_space<hbm>> -> memref<10000x16xf32, #tpu.memory_space<hbm>>
    tpu.enqueue_indirect_dma source(%dma_start3A_15 : memref<10000x16xf32, #tpu.memory_space<hbm>>) target(%arg13 : memref<128x16xf32, #tpu.memory_space<vmem>>) offsets(%dma_start3A_12 : memref<128xi32, #tpu.memory_space<vmem>>) semaphore(%arg20 : memref<!tpu.dma_semaphore, #tpu.memory_space<semaphore_mem>>)
    %dma_start3A_16 = arith.constant 2 : i32
    %dma_start3A_17 = arith.constant 0 : i32
    %dma_start3A_18 = tpu.memref_slice %arg10[%dma_start3A_16, %dma_start3A_17] : memref<84x128xi32, #tpu.memory_space<vmem>> -> memref<1x128xi32, #tpu.memory_space<vmem>>
    %dma_start3A_19 = tpu.memref_squeeze %dma_start3A_18 : memref<1x128xi32, #tpu.memory_space<vmem>> -> memref<128xi32, #tpu.memory_space<vmem>>
    %dma_start3A_20 = arith.constant 0 : i32
    %dma_start3A_21 = arith.constant 0 : i32
    %dma_start3A_22 = tpu.memref_slice %arg2[%dma_start3A_20, %dma_start3A_21] : memref<10000x16xf32, #tpu.memory_space<hbm>> -> memref<10000x16xf32, #tpu.memory_space<hbm>>
    tpu.enqueue_indirect_dma source(%dma_start3A_22 : memref<10000x16xf32, #tpu.memory_space<hbm>>) target(%arg14 : memref<128x16xf32, #tpu.memory_space<vmem>>) offsets(%dma_start3A_19 : memref<128xi32, #tpu.memory_space<vmem>>) semaphore(%arg21 : memref<!tpu.dma_semaphore, #tpu.memory_space<semaphore_mem>>)
    %dma_start3A_23 = arith.constant 3 : i32
    %dma_start3A_24 = arith.constant 0 : i32
    %dma_start3A_25 = tpu.memref_slice %arg10[%dma_start3A_23, %dma_start3A_24] : memref<84x128xi32, #tpu.memory_space<vmem>> -> memref<1x128xi32, #tpu.memory_space<vmem>>
    %dma_start3A_26 = tpu.memref_squeeze %dma_start3A_25 : memref<1x128xi32, #tpu.memory_space<vmem>> -> memref<128xi32, #tpu.memory_space<vmem>>
    %dma_start3A_27 = arith.constant 0 : i32
    %dma_start3A_28 = arith.constant 0 : i32
    %dma_start3A_29 = tpu.memref_slice %arg2[%dma_start3A_27, %dma_start3A_28] : memref<10000x16xf32, #tpu.memory_space<hbm>> -> memref<10000x16xf32, #tpu.memory_space<hbm>>
    tpu.enqueue_indirect_dma source(%dma_start3A_29 : memref<10000x16xf32, #tpu.memory_space<hbm>>) target(%arg15 : memref<128x16xf32, #tpu.memory_space<vmem>>) offsets(%dma_start3A_26 : memref<128xi32, #tpu.memory_space<vmem>>) semaphore(%arg22 : memref<!tpu.dma_semaphore, #tpu.memory_space<semaphore_mem>>)
    %scan3A = arith.constant 0 : i32
    %scan3A_30 = arith.constant 0 : i32
    %scan3A_31 = arith.constant 20 : i32
    %scan3A_32 = arith.addi %scan3A_30, %scan3A_31 : i32
    %scan3A_33 = arith.constant 1 : i32
    scf.for %scan3A_63 = %scan3A_30 to %scan3A_32 step %scan3A_33  : i32 {
      %mul3A_64 = arith.constant 4 : i32
      %mul3A_65 = arith.muli %mul3A_64, %scan3A_63 : i32
      %add3A_66 = arith.constant 0 : i32
      %add3A_67 = arith.addi %mul3A_65, %add3A_66 : i32
      %dma_wait3A_68 = arith.constant 0 : i32
      %dma_wait3A_69 = arith.constant 0 : i32
      %dma_wait3A_70 = tpu.memref_slice %arg10[%dma_wait3A_68, %dma_wait3A_69] : memref<84x128xi32, #tpu.memory_space<vmem>> -> memref<1x128xi32, #tpu.memory_space<vmem>>
      %dma_wait3A_71 = tpu.memref_squeeze %dma_wait3A_70 : memref<1x128xi32, #tpu.memory_space<vmem>> -> memref<128xi32, #tpu.memory_space<vmem>>
      %dma_wait3A_72 = arith.constant 0 : i32
      %dma_wait3A_73 = arith.constant 0 : i32
      %dma_wait3A_74 = tpu.memref_slice %arg2[%dma_wait3A_72, %dma_wait3A_73] : memref<10000x16xf32, #tpu.memory_space<hbm>> -> memref<10000x16xf32, #tpu.memory_space<hbm>>
      tpu.wait_indirect_dma semaphore(%arg19 : memref<!tpu.dma_semaphore, #tpu.memory_space<semaphore_mem>>) src(%dma_wait3A_74 : memref<10000x16xf32, #tpu.memory_space<hbm>>) dst(%arg12 : memref<128x16xf32, #tpu.memory_space<vmem>>)
      "tpu.region"() ({
        %run_scoped3A = tpu.sem_alloc : memref<!tpu.dma_semaphore, #tpu.memory_space<semaphore_mem>>
        %dma_start3A_134 = arith.constant 0 : i32
        %dma_start3A_135 = tpu.memref_slice %arg11[%add3A_67, %dma_start3A_134] : memref<84x128xi32, #tpu.memory_space<vmem>> -> memref<1x128xi32, #tpu.memory_space<vmem>>
        %dma_start3A_136 = tpu.memref_squeeze %dma_start3A_135 : memref<1x128xi32, #tpu.memory_space<vmem>> -> memref<128xi32, #tpu.memory_space<vmem>>
        %dma_start3A_137 = arith.constant 0 : i32
        %dma_start3A_138 = arith.constant 0 : i32
        %dma_start3A_139 = tpu.memref_slice %arg17[%dma_start3A_137, %dma_start3A_138] : memref<10240x16xf32, #tpu.memory_space<vmem_shared>> -> memref<10240x16xf32, #tpu.memory_space<vmem_shared>>
        tpu.enqueue_indirect_dma source(%arg12 : memref<128x16xf32, #tpu.memory_space<vmem>>) target(%dma_start3A_139 : memref<10240x16xf32, #tpu.memory_space<vmem_shared>>) offsets(%dma_start3A_136 : memref<128xi32, #tpu.memory_space<vmem>>) semaphore(%run_scoped3A : memref<!tpu.dma_semaphore, #tpu.memory_space<semaphore_mem>>) {add = true}
        %dma_wait3A_140 = arith.constant 0 : i32
        %dma_wait3A_141 = tpu.memref_slice %arg11[%add3A_67, %dma_wait3A_140] : memref<84x128xi32, #tpu.memory_space<vmem>> -> memref<1x128xi32, #tpu.memory_space<vmem>>
        %dma_wait3A_142 = tpu.memref_squeeze %dma_wait3A_141 : memref<1x128xi32, #tpu.memory_space<vmem>> -> memref<128xi32, #tpu.memory_space<vmem>>
        %dma_wait3A_143 = arith.constant 0 : i32
        %dma_wait3A_144 = arith.constant 0 : i32
        %dma_wait3A_145 = tpu.memref_slice %arg17[%dma_wait3A_143, %dma_wait3A_144] : memref<10240x16xf32, #tpu.memory_space<vmem_shared>> -> memref<10240x16xf32, #tpu.memory_space<vmem_shared>>
        tpu.wait_indirect_dma semaphore(%run_scoped3A : memref<!tpu.dma_semaphore, #tpu.memory_space<semaphore_mem>>) src(%arg12 : memref<128x16xf32, #tpu.memory_space<vmem>>) dst(%dma_wait3A_145 : memref<10240x16xf32, #tpu.memory_space<vmem_shared>>)
        tpu.yield
      }) : () -> ()
      "tpu.region"() ({
        %run_scoped3A = tpu.sem_alloc : memref<!tpu.dma_semaphore, #tpu.memory_space<semaphore_mem>>
        %dma_start3A_134 = arith.constant 0 : i32
        %dma_start3A_135 = tpu.memref_slice %arg11[%add3A_67, %dma_start3A_134] : memref<84x128xi32, #tpu.memory_space<vmem>> -> memref<1x128xi32, #tpu.memory_space<vmem>>
        %dma_start3A_136 = tpu.memref_squeeze %dma_start3A_135 : memref<1x128xi32, #tpu.memory_space<vmem>> -> memref<128xi32, #tpu.memory_space<vmem>>
        %dma_start3A_137 = arith.constant 0 : i32
        %dma_start3A_138 = tpu.memref_slice %arg18[%dma_start3A_137] : memref<10240xf32, #tpu.memory_space<vmem_shared>> -> memref<10240xf32, #tpu.memory_space<vmem_shared>>
        tpu.enqueue_indirect_dma source(%arg16 : memref<128xf32, #tpu.memory_space<vmem>>) target(%dma_start3A_138 : memref<10240xf32, #tpu.memory_space<vmem_shared>>) offsets(%dma_start3A_136 : memref<128xi32, #tpu.memory_space<vmem>>) semaphore(%run_scoped3A : memref<!tpu.dma_semaphore, #tpu.memory_space<semaphore_mem>>) {add = true}
        %dma_wait3A_139 = arith.constant 0 : i32
        %dma_wait3A_140 = tpu.memref_slice %arg11[%add3A_67, %dma_wait3A_139] : memref<84x128xi32, #tpu.memory_space<vmem>> -> memref<1x128xi32, #tpu.memory_space<vmem>>
        %dma_wait3A_141 = tpu.memref_squeeze %dma_wait3A_140 : memref<1x128xi32, #tpu.memory_space<vmem>> -> memref<128xi32, #tpu.memory_space<vmem>>
        %dma_wait3A_142 = arith.constant 0 : i32
        %dma_wait3A_143 = tpu.memref_slice %arg18[%dma_wait3A_142] : memref<10240xf32, #tpu.memory_space<vmem_shared>> -> memref<10240xf32, #tpu.memory_space<vmem_shared>>
        tpu.wait_indirect_dma semaphore(%run_scoped3A : memref<!tpu.dma_semaphore, #tpu.memory_space<semaphore_mem>>) src(%arg16 : memref<128xf32, #tpu.memory_space<vmem>>) dst(%dma_wait3A_143 : memref<10240xf32, #tpu.memory_space<vmem_shared>>)
        tpu.yield
      }) : () -> ()
      %add3A_75 = arith.constant 4 : i32
      %add3A_76 = arith.addi %add3A_67, %add3A_75 : i32
      %dma_start3A_77 = arith.constant 0 : i32
      %dma_start3A_78 = tpu.memref_slice %arg10[%add3A_76, %dma_start3A_77] : memref<84x128xi32, #tpu.memory_space<vmem>> -> memref<1x128xi32, #tpu.memory_space<vmem>>
      %dma_start3A_79 = tpu.memref_squeeze %dma_start3A_78 : memref<1x128xi32, #tpu.memory_space<vmem>> -> memref<128xi32, #tpu.memory_space<vmem>>
      %dma_start3A_80 = arith.constant 0 : i32
      %dma_start3A_81 = arith.constant 0 : i32
      %dma_start3A_82 = tpu.memref_slice %arg2[%dma_start3A_80, %dma_start3A_81] : memref<10000x16xf32, #tpu.memory_space<hbm>> -> memref<10000x16xf32, #tpu.memory_space<hbm>>
      tpu.enqueue_indirect_dma source(%dma_start3A_82 : memref<10000x16xf32, #tpu.memory_space<hbm>>) target(%arg12 : memref<128x16xf32, #tpu.memory_space<vmem>>) offsets(%dma_start3A_79 : memref<128xi32, #tpu.memory_space<vmem>>) semaphore(%arg19 : memref<!tpu.dma_semaphore, #tpu.memory_space<semaphore_mem>>)
      %add3A_83 = arith.constant 1 : i32
      %add3A_84 = arith.addi %mul3A_65, %add3A_83 : i32
      %dma_wait3A_85 = arith.constant 0 : i32
      %dma_wait3A_86 = arith.constant 0 : i32
      %dma_wait3A_87 = tpu.memref_slice %arg10[%dma_wait3A_85, %dma_wait3A_86] : memref<84x128xi32, #tpu.memory_space<vmem>> -> memref<1x128xi32, #tpu.memory_space<vmem>>
      %dma_wait3A_88 = tpu.memref_squeeze %dma_wait3A_87 : memref<1x128xi32, #tpu.memory_space<vmem>> -> memref<128xi32, #tpu.memory_space<vmem>>
      %dma_wait3A_89 = arith.constant 0 : i32
      %dma_wait3A_90 = arith.constant 0 : i32
      %dma_wait3A_91 = tpu.memref_slice %arg2[%dma_wait3A_89, %dma_wait3A_90] : memref<10000x16xf32, #tpu.memory_space<hbm>> -> memref<10000x16xf32, #tpu.memory_space<hbm>>
      tpu.wait_indirect_dma semaphore(%arg20 : memref<!tpu.dma_semaphore, #tpu.memory_space<semaphore_mem>>) src(%dma_wait3A_91 : memref<10000x16xf32, #tpu.memory_space<hbm>>) dst(%arg13 : memref<128x16xf32, #tpu.memory_space<vmem>>)
      "tpu.region"() ({
        %run_scoped3A = tpu.sem_alloc : memref<!tpu.dma_semaphore, #tpu.memory_space<semaphore_mem>>
        %dma_start3A_134 = arith.constant 0 : i32
        %dma_start3A_135 = tpu.memref_slice %arg11[%add3A_84, %dma_start3A_134] : memref<84x128xi32, #tpu.memory_space<vmem>> -> memref<1x128xi32, #tpu.memory_space<vmem>>
        %dma_start3A_136 = tpu.memref_squeeze %dma_start3A_135 : memref<1x128xi32, #tpu.memory_space<vmem>> -> memref<128xi32, #tpu.memory_space<vmem>>
        %dma_start3A_137 = arith.constant 0 : i32
        %dma_start3A_138 = arith.constant 0 : i32
        %dma_start3A_139 = tpu.memref_slice %arg17[%dma_start3A_137, %dma_start3A_138] : memref<10240x16xf32, #tpu.memory_space<vmem_shared>> -> memref<10240x16xf32, #tpu.memory_space<vmem_shared>>
        tpu.enqueue_indirect_dma source(%arg13 : memref<128x16xf32, #tpu.memory_space<vmem>>) target(%dma_start3A_139 : memref<10240x16xf32, #tpu.memory_space<vmem_shared>>) offsets(%dma_start3A_136 : memref<128xi32, #tpu.memory_space<vmem>>) semaphore(%run_scoped3A : memref<!tpu.dma_semaphore, #tpu.memory_space<semaphore_mem>>) {add = true}
        %dma_wait3A_140 = arith.constant 0 : i32
        %dma_wait3A_141 = tpu.memref_slice %arg11[%add3A_84, %dma_wait3A_140] : memref<84x128xi32, #tpu.memory_space<vmem>> -> memref<1x128xi32, #tpu.memory_space<vmem>>
        %dma_wait3A_142 = tpu.memref_squeeze %dma_wait3A_141 : memref<1x128xi32, #tpu.memory_space<vmem>> -> memref<128xi32, #tpu.memory_space<vmem>>
        %dma_wait3A_143 = arith.constant 0 : i32
        %dma_wait3A_144 = arith.constant 0 : i32
        %dma_wait3A_145 = tpu.memref_slice %arg17[%dma_wait3A_143, %dma_wait3A_144] : memref<10240x16xf32, #tpu.memory_space<vmem_shared>> -> memref<10240x16xf32, #tpu.memory_space<vmem_shared>>
        tpu.wait_indirect_dma semaphore(%run_scoped3A : memref<!tpu.dma_semaphore, #tpu.memory_space<semaphore_mem>>) src(%arg13 : memref<128x16xf32, #tpu.memory_space<vmem>>) dst(%dma_wait3A_145 : memref<10240x16xf32, #tpu.memory_space<vmem_shared>>)
        tpu.yield
      }) : () -> ()
      "tpu.region"() ({
        %run_scoped3A = tpu.sem_alloc : memref<!tpu.dma_semaphore, #tpu.memory_space<semaphore_mem>>
        %dma_start3A_134 = arith.constant 0 : i32
        %dma_start3A_135 = tpu.memref_slice %arg11[%add3A_84, %dma_start3A_134] : memref<84x128xi32, #tpu.memory_space<vmem>> -> memref<1x128xi32, #tpu.memory_space<vmem>>
        %dma_start3A_136 = tpu.memref_squeeze %dma_start3A_135 : memref<1x128xi32, #tpu.memory_space<vmem>> -> memref<128xi32, #tpu.memory_space<vmem>>
        %dma_start3A_137 = arith.constant 0 : i32
        %dma_start3A_138 = tpu.memref_slice %arg18[%dma_start3A_137] : memref<10240xf32, #tpu.memory_space<vmem_shared>> -> memref<10240xf32, #tpu.memory_space<vmem_shared>>
        tpu.enqueue_indirect_dma source(%arg16 : memref<128xf32, #tpu.memory_space<vmem>>) target(%dma_start3A_138 : memref<10240xf32, #tpu.memory_space<vmem_shared>>) offsets(%dma_start3A_136 : memref<128xi32, #tpu.memory_space<vmem>>) semaphore(%run_scoped3A : memref<!tpu.dma_semaphore, #tpu.memory_space<semaphore_mem>>) {add = true}
        %dma_wait3A_139 = arith.constant 0 : i32
        %dma_wait3A_140 = tpu.memref_slice %arg11[%add3A_84, %dma_wait3A_139] : memref<84x128xi32, #tpu.memory_space<vmem>> -> memref<1x128xi32, #tpu.memory_space<vmem>>
        %dma_wait3A_141 = tpu.memref_squeeze %dma_wait3A_140 : memref<1x128xi32, #tpu.memory_space<vmem>> -> memref<128xi32, #tpu.memory_space<vmem>>
        %dma_wait3A_142 = arith.constant 0 : i32
        %dma_wait3A_143 = tpu.memref_slice %arg18[%dma_wait3A_142] : memref<10240xf32, #tpu.memory_space<vmem_shared>> -> memref<10240xf32, #tpu.memory_space<vmem_shared>>
        tpu.wait_indirect_dma semaphore(%run_scoped3A : memref<!tpu.dma_semaphore, #tpu.memory_space<semaphore_mem>>) src(%arg16 : memref<128xf32, #tpu.memory_space<vmem>>) dst(%dma_wait3A_143 : memref<10240xf32, #tpu.memory_space<vmem_shared>>)
        tpu.yield
      }) : () -> ()
      %add3A_92 = arith.constant 4 : i32
      %add3A_93 = arith.addi %add3A_84, %add3A_92 : i32
      %dma_start3A_94 = arith.constant 0 : i32
      %dma_start3A_95 = tpu.memref_slice %arg10[%add3A_93, %dma_start3A_94] : memref<84x128xi32, #tpu.memory_space<vmem>> -> memref<1x128xi32, #tpu.memory_space<vmem>>
      %dma_start3A_96 = tpu.memref_squeeze %dma_start3A_95 : memref<1x128xi32, #tpu.memory_space<vmem>> -> memref<128xi32, #tpu.memory_space<vmem>>
      %dma_start3A_97 = arith.constant 0 : i32
      %dma_start3A_98 = arith.constant 0 : i32
      %dma_start3A_99 = tpu.memref_slice %arg2[%dma_start3A_97, %dma_start3A_98] : memref<10000x16xf32, #tpu.memory_space<hbm>> -> memref<10000x16xf32, #tpu.memory_space<hbm>>
      tpu.enqueue_indirect_dma source(%dma_start3A_99 : memref<10000x16xf32, #tpu.memory_space<hbm>>) target(%arg13 : memref<128x16xf32, #tpu.memory_space<vmem>>) offsets(%dma_start3A_96 : memref<128xi32, #tpu.memory_space<vmem>>) semaphore(%arg20 : memref<!tpu.dma_semaphore, #tpu.memory_space<semaphore_mem>>)
      %add3A_100 = arith.constant 2 : i32
      %add3A_101 = arith.addi %mul3A_65, %add3A_100 : i32
      %dma_wait3A_102 = arith.constant 0 : i32
      %dma_wait3A_103 = arith.constant 0 : i32
      %dma_wait3A_104 = tpu.memref_slice %arg10[%dma_wait3A_102, %dma_wait3A_103] : memref<84x128xi32, #tpu.memory_space<vmem>> -> memref<1x128xi32, #tpu.memory_space<vmem>>
      %dma_wait3A_105 = tpu.memref_squeeze %dma_wait3A_104 : memref<1x128xi32, #tpu.memory_space<vmem>> -> memref<128xi32, #tpu.memory_space<vmem>>
      %dma_wait3A_106 = arith.constant 0 : i32
      %dma_wait3A_107 = arith.constant 0 : i32
      %dma_wait3A_108 = tpu.memref_slice %arg2[%dma_wait3A_106, %dma_wait3A_107] : memref<10000x16xf32, #tpu.memory_space<hbm>> -> memref<10000x16xf32, #tpu.memory_space<hbm>>
      tpu.wait_indirect_dma semaphore(%arg21 : memref<!tpu.dma_semaphore, #tpu.memory_space<semaphore_mem>>) src(%dma_wait3A_108 : memref<10000x16xf32, #tpu.memory_space<hbm>>) dst(%arg14 : memref<128x16xf32, #tpu.memory_space<vmem>>)
      "tpu.region"() ({
        %run_scoped3A = tpu.sem_alloc : memref<!tpu.dma_semaphore, #tpu.memory_space<semaphore_mem>>
        %dma_start3A_134 = arith.constant 0 : i32
        %dma_start3A_135 = tpu.memref_slice %arg11[%add3A_101, %dma_start3A_134] : memref<84x128xi32, #tpu.memory_space<vmem>> -> memref<1x128xi32, #tpu.memory_space<vmem>>
        %dma_start3A_136 = tpu.memref_squeeze %dma_start3A_135 : memref<1x128xi32, #tpu.memory_space<vmem>> -> memref<128xi32, #tpu.memory_space<vmem>>
        %dma_start3A_137 = arith.constant 0 : i32
        %dma_start3A_138 = arith.constant 0 : i32
        %dma_start3A_139 = tpu.memref_slice %arg17[%dma_start3A_137, %dma_start3A_138] : memref<10240x16xf32, #tpu.memory_space<vmem_shared>> -> memref<10240x16xf32, #tpu.memory_space<vmem_shared>>
        tpu.enqueue_indirect_dma source(%arg14 : memref<128x16xf32, #tpu.memory_space<vmem>>) target(%dma_start3A_139 : memref<10240x16xf32, #tpu.memory_space<vmem_shared>>) offsets(%dma_start3A_136 : memref<128xi32, #tpu.memory_space<vmem>>) semaphore(%run_scoped3A : memref<!tpu.dma_semaphore, #tpu.memory_space<semaphore_mem>>) {add = true}
        %dma_wait3A_140 = arith.constant 0 : i32
        %dma_wait3A_141 = tpu.memref_slice %arg11[%add3A_101, %dma_wait3A_140] : memref<84x128xi32, #tpu.memory_space<vmem>> -> memref<1x128xi32, #tpu.memory_space<vmem>>
        %dma_wait3A_142 = tpu.memref_squeeze %dma_wait3A_141 : memref<1x128xi32, #tpu.memory_space<vmem>> -> memref<128xi32, #tpu.memory_space<vmem>>
        %dma_wait3A_143 = arith.constant 0 : i32
        %dma_wait3A_144 = arith.constant 0 : i32
        %dma_wait3A_145 = tpu.memref_slice %arg17[%dma_wait3A_143, %dma_wait3A_144] : memref<10240x16xf32, #tpu.memory_space<vmem_shared>> -> memref<10240x16xf32, #tpu.memory_space<vmem_shared>>
        tpu.wait_indirect_dma semaphore(%run_scoped3A : memref<!tpu.dma_semaphore, #tpu.memory_space<semaphore_mem>>) src(%arg14 : memref<128x16xf32, #tpu.memory_space<vmem>>) dst(%dma_wait3A_145 : memref<10240x16xf32, #tpu.memory_space<vmem_shared>>)
        tpu.yield
      }) : () -> ()
      "tpu.region"() ({
        %run_scoped3A = tpu.sem_alloc : memref<!tpu.dma_semaphore, #tpu.memory_space<semaphore_mem>>
        %dma_start3A_134 = arith.constant 0 : i32
        %dma_start3A_135 = tpu.memref_slice %arg11[%add3A_101, %dma_start3A_134] : memref<84x128xi32, #tpu.memory_space<vmem>> -> memref<1x128xi32, #tpu.memory_space<vmem>>
        %dma_start3A_136 = tpu.memref_squeeze %dma_start3A_135 : memref<1x128xi32, #tpu.memory_space<vmem>> -> memref<128xi32, #tpu.memory_space<vmem>>
        %dma_start3A_137 = arith.constant 0 : i32
        %dma_start3A_138 = tpu.memref_slice %arg18[%dma_start3A_137] : memref<10240xf32, #tpu.memory_space<vmem_shared>> -> memref<10240xf32, #tpu.memory_space<vmem_shared>>
        tpu.enqueue_indirect_dma source(%arg16 : memref<128xf32, #tpu.memory_space<vmem>>) target(%dma_start3A_138 : memref<10240xf32, #tpu.memory_space<vmem_shared>>) offsets(%dma_start3A_136 : memref<128xi32, #tpu.memory_space<vmem>>) semaphore(%run_scoped3A : memref<!tpu.dma_semaphore, #tpu.memory_space<semaphore_mem>>) {add = true}
        %dma_wait3A_139 = arith.constant 0 : i32
        %dma_wait3A_140 = tpu.memref_slice %arg11[%add3A_101, %dma_wait3A_139] : memref<84x128xi32, #tpu.memory_space<vmem>> -> memref<1x128xi32, #tpu.memory_space<vmem>>
        %dma_wait3A_141 = tpu.memref_squeeze %dma_wait3A_140 : memref<1x128xi32, #tpu.memory_space<vmem>> -> memref<128xi32, #tpu.memory_space<vmem>>
        %dma_wait3A_142 = arith.constant 0 : i32
        %dma_wait3A_143 = tpu.memref_slice %arg18[%dma_wait3A_142] : memref<10240xf32, #tpu.memory_space<vmem_shared>> -> memref<10240xf32, #tpu.memory_space<vmem_shared>>
        tpu.wait_indirect_dma semaphore(%run_scoped3A : memref<!tpu.dma_semaphore, #tpu.memory_space<semaphore_mem>>) src(%arg16 : memref<128xf32, #tpu.memory_space<vmem>>) dst(%dma_wait3A_143 : memref<10240xf32, #tpu.memory_space<vmem_shared>>)
        tpu.yield
      }) : () -> ()
      %add3A_109 = arith.constant 4 : i32
      %add3A_110 = arith.addi %add3A_101, %add3A_109 : i32
      %dma_start3A_111 = arith.constant 0 : i32
      %dma_start3A_112 = tpu.memref_slice %arg10[%add3A_110, %dma_start3A_111] : memref<84x128xi32, #tpu.memory_space<vmem>> -> memref<1x128xi32, #tpu.memory_space<vmem>>
      %dma_start3A_113 = tpu.memref_squeeze %dma_start3A_112 : memref<1x128xi32, #tpu.memory_space<vmem>> -> memref<128xi32, #tpu.memory_space<vmem>>
      %dma_start3A_114 = arith.constant 0 : i32
      %dma_start3A_115 = arith.constant 0 : i32
      %dma_start3A_116 = tpu.memref_slice %arg2[%dma_start3A_114, %dma_start3A_115] : memref<10000x16xf32, #tpu.memory_space<hbm>> -> memref<10000x16xf32, #tpu.memory_space<hbm>>
      tpu.enqueue_indirect_dma source(%dma_start3A_116 : memref<10000x16xf32, #tpu.memory_space<hbm>>) target(%arg14 : memref<128x16xf32, #tpu.memory_space<vmem>>) offsets(%dma_start3A_113 : memref<128xi32, #tpu.memory_space<vmem>>) semaphore(%arg21 : memref<!tpu.dma_semaphore, #tpu.memory_space<semaphore_mem>>)
      %add3A_117 = arith.constant 3 : i32
      %add3A_118 = arith.addi %mul3A_65, %add3A_117 : i32
      %dma_wait3A_119 = arith.constant 0 : i32
      %dma_wait3A_120 = arith.constant 0 : i32
      %dma_wait3A_121 = tpu.memref_slice %arg10[%dma_wait3A_119, %dma_wait3A_120] : memref<84x128xi32, #tpu.memory_space<vmem>> -> memref<1x128xi32, #tpu.memory_space<vmem>>
      %dma_wait3A_122 = tpu.memref_squeeze %dma_wait3A_121 : memref<1x128xi32, #tpu.memory_space<vmem>> -> memref<128xi32, #tpu.memory_space<vmem>>
      %dma_wait3A_123 = arith.constant 0 : i32
      %dma_wait3A_124 = arith.constant 0 : i32
      %dma_wait3A_125 = tpu.memref_slice %arg2[%dma_wait3A_123, %dma_wait3A_124] : memref<10000x16xf32, #tpu.memory_space<hbm>> -> memref<10000x16xf32, #tpu.memory_space<hbm>>
      tpu.wait_indirect_dma semaphore(%arg22 : memref<!tpu.dma_semaphore, #tpu.memory_space<semaphore_mem>>) src(%dma_wait3A_125 : memref<10000x16xf32, #tpu.memory_space<hbm>>) dst(%arg15 : memref<128x16xf32, #tpu.memory_space<vmem>>)
      "tpu.region"() ({
        %run_scoped3A = tpu.sem_alloc : memref<!tpu.dma_semaphore, #tpu.memory_space<semaphore_mem>>
        %dma_start3A_134 = arith.constant 0 : i32
        %dma_start3A_135 = tpu.memref_slice %arg11[%add3A_118, %dma_start3A_134] : memref<84x128xi32, #tpu.memory_space<vmem>> -> memref<1x128xi32, #tpu.memory_space<vmem>>
        %dma_start3A_136 = tpu.memref_squeeze %dma_start3A_135 : memref<1x128xi32, #tpu.memory_space<vmem>> -> memref<128xi32, #tpu.memory_space<vmem>>
        %dma_start3A_137 = arith.constant 0 : i32
        %dma_start3A_138 = arith.constant 0 : i32
        %dma_start3A_139 = tpu.memref_slice %arg17[%dma_start3A_137, %dma_start3A_138] : memref<10240x16xf32, #tpu.memory_space<vmem_shared>> -> memref<10240x16xf32, #tpu.memory_space<vmem_shared>>
        tpu.enqueue_indirect_dma source(%arg15 : memref<128x16xf32, #tpu.memory_space<vmem>>) target(%dma_start3A_139 : memref<10240x16xf32, #tpu.memory_space<vmem_shared>>) offsets(%dma_start3A_136 : memref<128xi32, #tpu.memory_space<vmem>>) semaphore(%run_scoped3A : memref<!tpu.dma_semaphore, #tpu.memory_space<semaphore_mem>>) {add = true}
        %dma_wait3A_140 = arith.constant 0 : i32
        %dma_wait3A_141 = tpu.memref_slice %arg11[%add3A_118, %dma_wait3A_140] : memref<84x128xi32, #tpu.memory_space<vmem>> -> memref<1x128xi32, #tpu.memory_space<vmem>>
        %dma_wait3A_142 = tpu.memref_squeeze %dma_wait3A_141 : memref<1x128xi32, #tpu.memory_space<vmem>> -> memref<128xi32, #tpu.memory_space<vmem>>
        %dma_wait3A_143 = arith.constant 0 : i32
        %dma_wait3A_144 = arith.constant 0 : i32
        %dma_wait3A_145 = tpu.memref_slice %arg17[%dma_wait3A_143, %dma_wait3A_144] : memref<10240x16xf32, #tpu.memory_space<vmem_shared>> -> memref<10240x16xf32, #tpu.memory_space<vmem_shared>>
        tpu.wait_indirect_dma semaphore(%run_scoped3A : memref<!tpu.dma_semaphore, #tpu.memory_space<semaphore_mem>>) src(%arg15 : memref<128x16xf32, #tpu.memory_space<vmem>>) dst(%dma_wait3A_145 : memref<10240x16xf32, #tpu.memory_space<vmem_shared>>)
        tpu.yield
      }) : () -> ()
      "tpu.region"() ({
        %run_scoped3A = tpu.sem_alloc : memref<!tpu.dma_semaphore, #tpu.memory_space<semaphore_mem>>
        %dma_start3A_134 = arith.constant 0 : i32
        %dma_start3A_135 = tpu.memref_slice %arg11[%add3A_118, %dma_start3A_134] : memref<84x128xi32, #tpu.memory_space<vmem>> -> memref<1x128xi32, #tpu.memory_space<vmem>>
        %dma_start3A_136 = tpu.memref_squeeze %dma_start3A_135 : memref<1x128xi32, #tpu.memory_space<vmem>> -> memref<128xi32, #tpu.memory_space<vmem>>
        %dma_start3A_137 = arith.constant 0 : i32
        %dma_start3A_138 = tpu.memref_slice %arg18[%dma_start3A_137] : memref<10240xf32, #tpu.memory_space<vmem_shared>> -> memref<10240xf32, #tpu.memory_space<vmem_shared>>
        tpu.enqueue_indirect_dma source(%arg16 : memref<128xf32, #tpu.memory_space<vmem>>) target(%dma_start3A_138 : memref<10240xf32, #tpu.memory_space<vmem_shared>>) offsets(%dma_start3A_136 : memref<128xi32, #tpu.memory_space<vmem>>) semaphore(%run_scoped3A : memref<!tpu.dma_semaphore, #tpu.memory_space<semaphore_mem>>) {add = true}
        %dma_wait3A_139 = arith.constant 0 : i32
        %dma_wait3A_140 = tpu.memref_slice %arg11[%add3A_118, %dma_wait3A_139] : memref<84x128xi32, #tpu.memory_space<vmem>> -> memref<1x128xi32, #tpu.memory_space<vmem>>
        %dma_wait3A_141 = tpu.memref_squeeze %dma_wait3A_140 : memref<1x128xi32, #tpu.memory_space<vmem>> -> memref<128xi32, #tpu.memory_space<vmem>>
        %dma_wait3A_142 = arith.constant 0 : i32
        %dma_wait3A_143 = tpu.memref_slice %arg18[%dma_wait3A_142] : memref<10240xf32, #tpu.memory_space<vmem_shared>> -> memref<10240xf32, #tpu.memory_space<vmem_shared>>
        tpu.wait_indirect_dma semaphore(%run_scoped3A : memref<!tpu.dma_semaphore, #tpu.memory_space<semaphore_mem>>) src(%arg16 : memref<128xf32, #tpu.memory_space<vmem>>) dst(%dma_wait3A_143 : memref<10240xf32, #tpu.memory_space<vmem_shared>>)
        tpu.yield
      }) : () -> ()
      %add3A_126 = arith.constant 4 : i32
      %add3A_127 = arith.addi %add3A_118, %add3A_126 : i32
      %dma_start3A_128 = arith.constant 0 : i32
      %dma_start3A_129 = tpu.memref_slice %arg10[%add3A_127, %dma_start3A_128] : memref<84x128xi32, #tpu.memory_space<vmem>> -> memref<1x128xi32, #tpu.memory_space<vmem>>
      %dma_start3A_130 = tpu.memref_squeeze %dma_start3A_129 : memref<1x128xi32, #tpu.memory_space<vmem>> -> memref<128xi32, #tpu.memory_space<vmem>>
      %dma_start3A_131 = arith.constant 0 : i32
      %dma_start3A_132 = arith.constant 0 : i32
      %dma_start3A_133 = tpu.memref_slice %arg2[%dma_start3A_131, %dma_start3A_132] : memref<10000x16xf32, #tpu.memory_space<hbm>> -> memref<10000x16xf32, #tpu.memory_space<hbm>>
      tpu.enqueue_indirect_dma source(%dma_start3A_133 : memref<10000x16xf32, #tpu.memory_space<hbm>>) target(%arg15 : memref<128x16xf32, #tpu.memory_space<vmem>>) offsets(%dma_start3A_130 : memref<128xi32, #tpu.memory_space<vmem>>) semaphore(%arg22 : memref<!tpu.dma_semaphore, #tpu.memory_space<semaphore_mem>>)
    }
    %scan3A_34 = arith.constant 20 : i32
    %dma_wait3A = arith.constant 0 : i32
    %dma_wait3A_35 = arith.constant 0 : i32
    %dma_wait3A_36 = tpu.memref_slice %arg10[%dma_wait3A, %dma_wait3A_35] : memref<84x128xi32, #tpu.memory_space<vmem>> -> memref<1x128xi32, #tpu.memory_space<vmem>>
    %dma_wait3A_37 = tpu.memref_squeeze %dma_wait3A_36 : memref<1x128xi32, #tpu.memory_space<vmem>> -> memref<128xi32, #tpu.memory_space<vmem>>
    %dma_wait3A_38 = arith.constant 0 : i32
    %dma_wait3A_39 = arith.constant 0 : i32
    %dma_wait3A_40 = tpu.memref_slice %arg2[%dma_wait3A_38, %dma_wait3A_39] : memref<10000x16xf32, #tpu.memory_space<hbm>> -> memref<10000x16xf32, #tpu.memory_space<hbm>>
    tpu.wait_indirect_dma semaphore(%arg19 : memref<!tpu.dma_semaphore, #tpu.memory_space<semaphore_mem>>) src(%dma_wait3A_40 : memref<10000x16xf32, #tpu.memory_space<hbm>>) dst(%arg12 : memref<128x16xf32, #tpu.memory_space<vmem>>)
    %dma_wait3A_41 = arith.constant 0 : i32
    %dma_wait3A_42 = arith.constant 0 : i32
    %dma_wait3A_43 = tpu.memref_slice %arg10[%dma_wait3A_41, %dma_wait3A_42] : memref<84x128xi32, #tpu.memory_space<vmem>> -> memref<1x128xi32, #tpu.memory_space<vmem>>
    %dma_wait3A_44 = tpu.memref_squeeze %dma_wait3A_43 : memref<1x128xi32, #tpu.memory_space<vmem>> -> memref<128xi32, #tpu.memory_space<vmem>>
    %dma_wait3A_45 = arith.constant 0 : i32
    %dma_wait3A_46 = arith.constant 0 : i32
    %dma_wait3A_47 = tpu.memref_slice %arg2[%dma_wait3A_45, %dma_wait3A_46] : memref<10000x16xf32, #tpu.memory_space<hbm>> -> memref<10000x16xf32, #tpu.memory_space<hbm>>
    tpu.wait_indirect_dma semaphore(%arg20 : memref<!tpu.dma_semaphore, #tpu.memory_space<semaphore_mem>>) src(%dma_wait3A_47 : memref<10000x16xf32, #tpu.memory_space<hbm>>) dst(%arg13 : memref<128x16xf32, #tpu.memory_space<vmem>>)
    %dma_wait3A_48 = arith.constant 0 : i32
    %dma_wait3A_49 = arith.constant 0 : i32
    %dma_wait3A_50 = tpu.memref_slice %arg10[%dma_wait3A_48, %dma_wait3A_49] : memref<84x128xi32, #tpu.memory_space<vmem>> -> memref<1x128xi32, #tpu.memory_space<vmem>>
    %dma_wait3A_51 = tpu.memref_squeeze %dma_wait3A_50 : memref<1x128xi32, #tpu.memory_space<vmem>> -> memref<128xi32, #tpu.memory_space<vmem>>
    %dma_wait3A_52 = arith.constant 0 : i32
    %dma_wait3A_53 = arith.constant 0 : i32
    %dma_wait3A_54 = tpu.memref_slice %arg2[%dma_wait3A_52, %dma_wait3A_53] : memref<10000x16xf32, #tpu.memory_space<hbm>> -> memref<10000x16xf32, #tpu.memory_space<hbm>>
    tpu.wait_indirect_dma semaphore(%arg21 : memref<!tpu.dma_semaphore, #tpu.memory_space<semaphore_mem>>) src(%dma_wait3A_54 : memref<10000x16xf32, #tpu.memory_space<hbm>>) dst(%arg14 : memref<128x16xf32, #tpu.memory_space<vmem>>)
    %dma_wait3A_55 = arith.constant 0 : i32
    %dma_wait3A_56 = arith.constant 0 : i32
    %dma_wait3A_57 = tpu.memref_slice %arg10[%dma_wait3A_55, %dma_wait3A_56] : memref<84x128xi32, #tpu.memory_space<vmem>> -> memref<1x128xi32, #tpu.memory_space<vmem>>
    %dma_wait3A_58 = tpu.memref_squeeze %dma_wait3A_57 : memref<1x128xi32, #tpu.memory_space<vmem>> -> memref<128xi32, #tpu.memory_space<vmem>>
    %dma_wait3A_59 = arith.constant 0 : i32
    %dma_wait3A_60 = arith.constant 0 : i32
    %dma_wait3A_61 = tpu.memref_slice %arg2[%dma_wait3A_59, %dma_wait3A_60] : memref<10000x16xf32, #tpu.memory_space<hbm>> -> memref<10000x16xf32, #tpu.memory_space<hbm>>
    tpu.wait_indirect_dma semaphore(%arg22 : memref<!tpu.dma_semaphore, #tpu.memory_space<semaphore_mem>>) src(%dma_wait3A_61 : memref<10000x16xf32, #tpu.memory_space<hbm>>) dst(%arg15 : memref<128x16xf32, #tpu.memory_space<vmem>>)
    %barrier3A_62 = arith.constant 0 : index
    tpu.barrier barrier_id(%barrier3A_62)
    "tpu.region"() ({
      %run_scoped3A = tpu.sem_alloc : memref<!tpu.dma_semaphore, #tpu.memory_space<semaphore_mem>>
      %dma_start3A_63 = arith.constant 0 : i32
      %dma_start3A_64 = tpu.memref_slice %arg8[%arg0, %mul3A_2, %dma_start3A_63] : memref<2x10240x16xf32, #tpu.memory_space<hbm>> -> memref<1x640x16xf32, #tpu.memory_space<hbm>>
      %dma_start3A_65 = tpu.memref_squeeze %dma_start3A_64 : memref<1x640x16xf32, #tpu.memory_space<hbm>> -> memref<640x16xf32, #tpu.memory_space<hbm>>
      %dma_start3A_66 = arith.constant 0 : i32
      %dma_start3A_67 = tpu.memref_slice %arg17[%mul3A_2, %dma_start3A_66] : memref<10240x16xf32, #tpu.memory_space<vmem_shared>> -> memref<640x16xf32, #tpu.memory_space<vmem_shared>>
      tpu.enqueue_dma source(%dma_start3A_67 : memref<640x16xf32, #tpu.memory_space<vmem_shared>>) target(%dma_start3A_65 : memref<640x16xf32, #tpu.memory_space<hbm>>) target_semaphore(%run_scoped3A : memref<!tpu.dma_semaphore, #tpu.memory_space<semaphore_mem>>)
      %dma_wait3A_68 = arith.constant 0 : i32
      %dma_wait3A_69 = tpu.memref_slice %arg8[%arg0, %mul3A_2, %dma_wait3A_68] : memref<2x10240x16xf32, #tpu.memory_space<hbm>> -> memref<1x640x16xf32, #tpu.memory_space<hbm>>
      %dma_wait3A_70 = tpu.memref_squeeze %dma_wait3A_69 : memref<1x640x16xf32, #tpu.memory_space<hbm>> -> memref<640x16xf32, #tpu.memory_space<hbm>>
      %dma_wait3A_71 = arith.constant 0 : i32
      %dma_wait3A_72 = tpu.memref_slice %arg17[%mul3A_2, %dma_wait3A_71] : memref<10240x16xf32, #tpu.memory_space<vmem_shared>> -> memref<640x16xf32, #tpu.memory_space<vmem_shared>>
      tpu.wait_dma2 semaphore(%run_scoped3A : memref<!tpu.dma_semaphore, #tpu.memory_space<semaphore_mem>>) src(%dma_wait3A_72 : memref<640x16xf32, #tpu.memory_space<vmem_shared>>) dst(%dma_wait3A_70 : memref<640x16xf32, #tpu.memory_space<hbm>>)
      tpu.yield
    }) : () -> ()
    "tpu.region"() ({
      %run_scoped3A = tpu.sem_alloc : memref<!tpu.dma_semaphore, #tpu.memory_space<semaphore_mem>>
      %dma_start3A_63 = tpu.memref_slice %arg9[%arg0, %mul3A_2] : memref<2x10240xf32, #tpu.memory_space<hbm>> -> memref<1x640xf32, #tpu.memory_space<hbm>>
      %dma_start3A_64 = tpu.memref_squeeze %dma_start3A_63 : memref<1x640xf32, #tpu.memory_space<hbm>> -> memref<640xf32, #tpu.memory_space<hbm>>
      %dma_start3A_65 = tpu.memref_slice %arg18[%mul3A_2] : memref<10240xf32, #tpu.memory_space<vmem_shared>> -> memref<640xf32, #tpu.memory_space<vmem_shared>>
      tpu.enqueue_dma source(%dma_start3A_65 : memref<640xf32, #tpu.memory_space<vmem_shared>>) target(%dma_start3A_64 : memref<640xf32, #tpu.memory_space<hbm>>) target_semaphore(%run_scoped3A : memref<!tpu.dma_semaphore, #tpu.memory_space<semaphore_mem>>)
      %dma_wait3A_66 = tpu.memref_slice %arg9[%arg0, %mul3A_2] : memref<2x10240xf32, #tpu.memory_space<hbm>> -> memref<1x640xf32, #tpu.memory_space<hbm>>
      %dma_wait3A_67 = tpu.memref_squeeze %dma_wait3A_66 : memref<1x640xf32, #tpu.memory_space<hbm>> -> memref<640xf32, #tpu.memory_space<hbm>>
      %dma_wait3A_68 = tpu.memref_slice %arg18[%mul3A_2] : memref<10240xf32, #tpu.memory_space<vmem_shared>> -> memref<640xf32, #tpu.memory_space<vmem_shared>>
      tpu.wait_dma2 semaphore(%run_scoped3A : memref<!tpu.dma_semaphore, #tpu.memory_space<semaphore_mem>>) src(%dma_wait3A_68 : memref<640xf32, #tpu.memory_space<vmem_shared>>) dst(%dma_wait3A_67 : memref<640xf32, #tpu.memory_space<hbm>>)
      tpu.yield
    }) : () -> ()
    return
  }
}

#map = affine_map<(d0, d1) -> (0, 0)>
#map1 = affine_map<(d0, d1) -> (0, 0, 0)>
module attributes {stable_mosaic.version = 14 : i64} {
  func.func @_sc_edges_body(%arg0: i32, %arg1: i32, %arg2: memref<10000x16xf32, #tpu.memory_space<hbm>>, %arg3: memref<32x84x128xi32, #tpu.memory_space<hbm>>, %arg4: memref<32x84x128xi32, #tpu.memory_space<hbm>>, %arg5: memref<640x16xf32, #tpu.memory_space<hbm>>, %arg6: memref<2x10240x16xf32, #tpu.memory_space<hbm>>, %arg7: memref<84x128xi32, #tpu.memory_space<vmem>>, %arg8: memref<84x128xi32, #tpu.memory_space<vmem>>, %arg9: memref<128x16xf32, #tpu.memory_space<vmem>>, %arg10: memref<128x16xf32, #tpu.memory_space<vmem>>, %arg11: memref<128x16xf32, #tpu.memory_space<vmem>>, %arg12: memref<128x16xf32, #tpu.memory_space<vmem>>, %arg13: memref<10240x16xf32, #tpu.memory_space<vmem_shared>>, %arg14: memref<!tpu.dma_semaphore, #tpu.memory_space<semaphore_mem>>, %arg15: memref<!tpu.dma_semaphore, #tpu.memory_space<semaphore_mem>>, %arg16: memref<!tpu.dma_semaphore, #tpu.memory_space<semaphore_mem>>, %arg17: memref<!tpu.dma_semaphore, #tpu.memory_space<semaphore_mem>>, %arg18: memref<!tpu.dma_semaphore, #tpu.memory_space<semaphore_mem>>, %arg19: memref<!tpu.dma_semaphore, #tpu.memory_space<semaphore_mem>>, %arg20: memref<!tpu.dma_semaphore, #tpu.memory_space<semaphore_mem>>, %arg21: memref<!tpu.dma_semaphore, #tpu.memory_space<semaphore_mem>>) attributes {dimension_semantics = [#tpu.dimension_semantics<core_parallel>, #tpu.dimension_semantics<subcore_parallel>], iteration_bounds = array<i64: 2, 16>, scalar_prefetch = 0 : i64, scratch_operands = 15 : i64, tpu.core_type = #tpu.core_type<sc_vector_subcore>, window_params = [{transform_indices = #map}, {transform_indices = #map1}, {transform_indices = #map1}, {transform_indices = #map}, {transform_indices = #map1}]} {
    %mul3A = arith.constant 2 : i32
    %mul3A_0 = arith.muli %arg1, %mul3A : i32
    %add3A = arith.addi %mul3A_0, %arg0 : i32
    %mul3A_1 = arith.constant 640 : i32
    %mul3A_2 = arith.muli %arg1, %mul3A_1 : i32
    "tpu.region"() ({
      %run_scoped3A = tpu.sem_alloc : memref<!tpu.dma_semaphore, #tpu.memory_space<semaphore_mem>>
      %dma_start3A_63 = arith.constant 0 : i32
      %dma_start3A_64 = tpu.memref_slice %arg13[%mul3A_2, %dma_start3A_63] : memref<10240x16xf32, #tpu.memory_space<vmem_shared>> -> memref<640x16xf32, #tpu.memory_space<vmem_shared>>
      tpu.enqueue_dma source(%arg5 : memref<640x16xf32, #tpu.memory_space<hbm>>) target(%dma_start3A_64 : memref<640x16xf32, #tpu.memory_space<vmem_shared>>) target_semaphore(%run_scoped3A : memref<!tpu.dma_semaphore, #tpu.memory_space<semaphore_mem>>)
      %dma_wait3A_65 = arith.constant 0 : i32
      %dma_wait3A_66 = tpu.memref_slice %arg13[%mul3A_2, %dma_wait3A_65] : memref<10240x16xf32, #tpu.memory_space<vmem_shared>> -> memref<640x16xf32, #tpu.memory_space<vmem_shared>>
      tpu.wait_dma2 semaphore(%run_scoped3A : memref<!tpu.dma_semaphore, #tpu.memory_space<semaphore_mem>>) src(%arg5 : memref<640x16xf32, #tpu.memory_space<hbm>>) dst(%dma_wait3A_66 : memref<640x16xf32, #tpu.memory_space<vmem_shared>>)
      tpu.yield
    }) : () -> ()
    "tpu.region"() ({
      %run_scoped3A = tpu.sem_alloc : memref<!tpu.dma_semaphore, #tpu.memory_space<semaphore_mem>>
      %dma_start3A_63 = arith.constant 0 : i32
      %dma_start3A_64 = arith.constant 0 : i32
      %dma_start3A_65 = tpu.memref_slice %arg3[%add3A, %dma_start3A_63, %dma_start3A_64] : memref<32x84x128xi32, #tpu.memory_space<hbm>> -> memref<1x84x128xi32, #tpu.memory_space<hbm>>
      %dma_start3A_66 = tpu.memref_squeeze %dma_start3A_65 : memref<1x84x128xi32, #tpu.memory_space<hbm>> -> memref<84x128xi32, #tpu.memory_space<hbm>>
      %dma_start3A_67 = arith.constant 0 : i32
      %dma_start3A_68 = arith.constant 0 : i32
      %dma_start3A_69 = tpu.memref_slice %arg3[%add3A, %dma_start3A_67, %dma_start3A_68] : memref<32x84x128xi32, #tpu.memory_space<hbm>> -> memref<1x84x128xi32, #tpu.memory_space<hbm>>
      %dma_start3A_70 = tpu.memref_squeeze %dma_start3A_69 : memref<1x84x128xi32, #tpu.memory_space<hbm>> -> memref<84x128xi32, #tpu.memory_space<hbm>>
      tpu.enqueue_dma source(%dma_start3A_70 : memref<84x128xi32, #tpu.memory_space<hbm>>) target(%arg7 : memref<84x128xi32, #tpu.memory_space<vmem>>) target_semaphore(%run_scoped3A : memref<!tpu.dma_semaphore, #tpu.memory_space<semaphore_mem>>)
      %dma_wait3A_71 = arith.constant 0 : i32
      %dma_wait3A_72 = arith.constant 0 : i32
      %dma_wait3A_73 = tpu.memref_slice %arg3[%add3A, %dma_wait3A_71, %dma_wait3A_72] : memref<32x84x128xi32, #tpu.memory_space<hbm>> -> memref<1x84x128xi32, #tpu.memory_space<hbm>>
      %dma_wait3A_74 = tpu.memref_squeeze %dma_wait3A_73 : memref<1x84x128xi32, #tpu.memory_space<hbm>> -> memref<84x128xi32, #tpu.memory_space<hbm>>
      %dma_wait3A_75 = arith.constant 0 : i32
      %dma_wait3A_76 = arith.constant 0 : i32
      %dma_wait3A_77 = tpu.memref_slice %arg3[%add3A, %dma_wait3A_75, %dma_wait3A_76] : memref<32x84x128xi32, #tpu.memory_space<hbm>> -> memref<1x84x128xi32, #tpu.memory_space<hbm>>
      %dma_wait3A_78 = tpu.memref_squeeze %dma_wait3A_77 : memref<1x84x128xi32, #tpu.memory_space<hbm>> -> memref<84x128xi32, #tpu.memory_space<hbm>>
      tpu.wait_dma2 semaphore(%run_scoped3A : memref<!tpu.dma_semaphore, #tpu.memory_space<semaphore_mem>>) src(%dma_wait3A_78 : memref<84x128xi32, #tpu.memory_space<hbm>>) dst(%arg7 : memref<84x128xi32, #tpu.memory_space<vmem>>)
      tpu.yield
    }) : () -> ()
    "tpu.region"() ({
      %run_scoped3A = tpu.sem_alloc : memref<!tpu.dma_semaphore, #tpu.memory_space<semaphore_mem>>
      %dma_start3A_63 = arith.constant 0 : i32
      %dma_start3A_64 = arith.constant 0 : i32
      %dma_start3A_65 = tpu.memref_slice %arg4[%add3A, %dma_start3A_63, %dma_start3A_64] : memref<32x84x128xi32, #tpu.memory_space<hbm>> -> memref<1x84x128xi32, #tpu.memory_space<hbm>>
      %dma_start3A_66 = tpu.memref_squeeze %dma_start3A_65 : memref<1x84x128xi32, #tpu.memory_space<hbm>> -> memref<84x128xi32, #tpu.memory_space<hbm>>
      %dma_start3A_67 = arith.constant 0 : i32
      %dma_start3A_68 = arith.constant 0 : i32
      %dma_start3A_69 = tpu.memref_slice %arg4[%add3A, %dma_start3A_67, %dma_start3A_68] : memref<32x84x128xi32, #tpu.memory_space<hbm>> -> memref<1x84x128xi32, #tpu.memory_space<hbm>>
      %dma_start3A_70 = tpu.memref_squeeze %dma_start3A_69 : memref<1x84x128xi32, #tpu.memory_space<hbm>> -> memref<84x128xi32, #tpu.memory_space<hbm>>
      tpu.enqueue_dma source(%dma_start3A_70 : memref<84x128xi32, #tpu.memory_space<hbm>>) target(%arg8 : memref<84x128xi32, #tpu.memory_space<vmem>>) target_semaphore(%run_scoped3A : memref<!tpu.dma_semaphore, #tpu.memory_space<semaphore_mem>>)
      %dma_wait3A_71 = arith.constant 0 : i32
      %dma_wait3A_72 = arith.constant 0 : i32
      %dma_wait3A_73 = tpu.memref_slice %arg4[%add3A, %dma_wait3A_71, %dma_wait3A_72] : memref<32x84x128xi32, #tpu.memory_space<hbm>> -> memref<1x84x128xi32, #tpu.memory_space<hbm>>
      %dma_wait3A_74 = tpu.memref_squeeze %dma_wait3A_73 : memref<1x84x128xi32, #tpu.memory_space<hbm>> -> memref<84x128xi32, #tpu.memory_space<hbm>>
      %dma_wait3A_75 = arith.constant 0 : i32
      %dma_wait3A_76 = arith.constant 0 : i32
      %dma_wait3A_77 = tpu.memref_slice %arg4[%add3A, %dma_wait3A_75, %dma_wait3A_76] : memref<32x84x128xi32, #tpu.memory_space<hbm>> -> memref<1x84x128xi32, #tpu.memory_space<hbm>>
      %dma_wait3A_78 = tpu.memref_squeeze %dma_wait3A_77 : memref<1x84x128xi32, #tpu.memory_space<hbm>> -> memref<84x128xi32, #tpu.memory_space<hbm>>
      tpu.wait_dma2 semaphore(%run_scoped3A : memref<!tpu.dma_semaphore, #tpu.memory_space<semaphore_mem>>) src(%dma_wait3A_78 : memref<84x128xi32, #tpu.memory_space<hbm>>) dst(%arg8 : memref<84x128xi32, #tpu.memory_space<vmem>>)
      tpu.yield
    }) : () -> ()
    %barrier3A = arith.constant 0 : index
    tpu.barrier barrier_id(%barrier3A)
    %dma_start3A = arith.constant 0 : i32
    %dma_start3A_3 = arith.constant 0 : i32
    %dma_start3A_4 = tpu.memref_slice %arg7[%dma_start3A, %dma_start3A_3] : memref<84x128xi32, #tpu.memory_space<vmem>> -> memref<1x128xi32, #tpu.memory_space<vmem>>
    %dma_start3A_5 = tpu.memref_squeeze %dma_start3A_4 : memref<1x128xi32, #tpu.memory_space<vmem>> -> memref<128xi32, #tpu.memory_space<vmem>>
    %dma_start3A_6 = arith.constant 0 : i32
    %dma_start3A_7 = arith.constant 0 : i32
    %dma_start3A_8 = tpu.memref_slice %arg2[%dma_start3A_6, %dma_start3A_7] : memref<10000x16xf32, #tpu.memory_space<hbm>> -> memref<10000x16xf32, #tpu.memory_space<hbm>>
    tpu.enqueue_indirect_dma source(%dma_start3A_8 : memref<10000x16xf32, #tpu.memory_space<hbm>>) target(%arg9 : memref<128x16xf32, #tpu.memory_space<vmem>>) offsets(%dma_start3A_5 : memref<128xi32, #tpu.memory_space<vmem>>) semaphore(%arg14 : memref<!tpu.dma_semaphore, #tpu.memory_space<semaphore_mem>>)
    %dma_start3A_9 = arith.constant 1 : i32
    %dma_start3A_10 = arith.constant 0 : i32
    %dma_start3A_11 = tpu.memref_slice %arg7[%dma_start3A_9, %dma_start3A_10] : memref<84x128xi32, #tpu.memory_space<vmem>> -> memref<1x128xi32, #tpu.memory_space<vmem>>
    %dma_start3A_12 = tpu.memref_squeeze %dma_start3A_11 : memref<1x128xi32, #tpu.memory_space<vmem>> -> memref<128xi32, #tpu.memory_space<vmem>>
    %dma_start3A_13 = arith.constant 0 : i32
    %dma_start3A_14 = arith.constant 0 : i32
    %dma_start3A_15 = tpu.memref_slice %arg2[%dma_start3A_13, %dma_start3A_14] : memref<10000x16xf32, #tpu.memory_space<hbm>> -> memref<10000x16xf32, #tpu.memory_space<hbm>>
    tpu.enqueue_indirect_dma source(%dma_start3A_15 : memref<10000x16xf32, #tpu.memory_space<hbm>>) target(%arg10 : memref<128x16xf32, #tpu.memory_space<vmem>>) offsets(%dma_start3A_12 : memref<128xi32, #tpu.memory_space<vmem>>) semaphore(%arg15 : memref<!tpu.dma_semaphore, #tpu.memory_space<semaphore_mem>>)
    %dma_start3A_16 = arith.constant 2 : i32
    %dma_start3A_17 = arith.constant 0 : i32
    %dma_start3A_18 = tpu.memref_slice %arg7[%dma_start3A_16, %dma_start3A_17] : memref<84x128xi32, #tpu.memory_space<vmem>> -> memref<1x128xi32, #tpu.memory_space<vmem>>
    %dma_start3A_19 = tpu.memref_squeeze %dma_start3A_18 : memref<1x128xi32, #tpu.memory_space<vmem>> -> memref<128xi32, #tpu.memory_space<vmem>>
    %dma_start3A_20 = arith.constant 0 : i32
    %dma_start3A_21 = arith.constant 0 : i32
    %dma_start3A_22 = tpu.memref_slice %arg2[%dma_start3A_20, %dma_start3A_21] : memref<10000x16xf32, #tpu.memory_space<hbm>> -> memref<10000x16xf32, #tpu.memory_space<hbm>>
    tpu.enqueue_indirect_dma source(%dma_start3A_22 : memref<10000x16xf32, #tpu.memory_space<hbm>>) target(%arg11 : memref<128x16xf32, #tpu.memory_space<vmem>>) offsets(%dma_start3A_19 : memref<128xi32, #tpu.memory_space<vmem>>) semaphore(%arg16 : memref<!tpu.dma_semaphore, #tpu.memory_space<semaphore_mem>>)
    %dma_start3A_23 = arith.constant 3 : i32
    %dma_start3A_24 = arith.constant 0 : i32
    %dma_start3A_25 = tpu.memref_slice %arg7[%dma_start3A_23, %dma_start3A_24] : memref<84x128xi32, #tpu.memory_space<vmem>> -> memref<1x128xi32, #tpu.memory_space<vmem>>
    %dma_start3A_26 = tpu.memref_squeeze %dma_start3A_25 : memref<1x128xi32, #tpu.memory_space<vmem>> -> memref<128xi32, #tpu.memory_space<vmem>>
    %dma_start3A_27 = arith.constant 0 : i32
    %dma_start3A_28 = arith.constant 0 : i32
    %dma_start3A_29 = tpu.memref_slice %arg2[%dma_start3A_27, %dma_start3A_28] : memref<10000x16xf32, #tpu.memory_space<hbm>> -> memref<10000x16xf32, #tpu.memory_space<hbm>>
    tpu.enqueue_indirect_dma source(%dma_start3A_29 : memref<10000x16xf32, #tpu.memory_space<hbm>>) target(%arg12 : memref<128x16xf32, #tpu.memory_space<vmem>>) offsets(%dma_start3A_26 : memref<128xi32, #tpu.memory_space<vmem>>) semaphore(%arg17 : memref<!tpu.dma_semaphore, #tpu.memory_space<semaphore_mem>>)
    %scan3A = arith.constant 0 : i32
    %scan3A_30 = arith.constant 0 : i32
    %scan3A_31 = arith.constant 20 : i32
    %scan3A_32 = arith.addi %scan3A_30, %scan3A_31 : i32
    %scan3A_33 = arith.constant 1 : i32
    scf.for %scan3A_63 = %scan3A_30 to %scan3A_32 step %scan3A_33  : i32 {
      %mul3A_64 = arith.constant 4 : i32
      %mul3A_65 = arith.muli %mul3A_64, %scan3A_63 : i32
      %add3A_66 = arith.constant 0 : i32
      %add3A_67 = arith.addi %mul3A_65, %add3A_66 : i32
      %dma_wait3A_68 = arith.constant 0 : i32
      %dma_wait3A_69 = arith.constant 0 : i32
      %dma_wait3A_70 = tpu.memref_slice %arg7[%dma_wait3A_68, %dma_wait3A_69] : memref<84x128xi32, #tpu.memory_space<vmem>> -> memref<1x128xi32, #tpu.memory_space<vmem>>
      %dma_wait3A_71 = tpu.memref_squeeze %dma_wait3A_70 : memref<1x128xi32, #tpu.memory_space<vmem>> -> memref<128xi32, #tpu.memory_space<vmem>>
      %dma_wait3A_72 = arith.constant 0 : i32
      %dma_wait3A_73 = arith.constant 0 : i32
      %dma_wait3A_74 = tpu.memref_slice %arg2[%dma_wait3A_72, %dma_wait3A_73] : memref<10000x16xf32, #tpu.memory_space<hbm>> -> memref<10000x16xf32, #tpu.memory_space<hbm>>
      tpu.wait_indirect_dma semaphore(%arg14 : memref<!tpu.dma_semaphore, #tpu.memory_space<semaphore_mem>>) src(%dma_wait3A_74 : memref<10000x16xf32, #tpu.memory_space<hbm>>) dst(%arg9 : memref<128x16xf32, #tpu.memory_space<vmem>>)
      "tpu.region"() ({
        %run_scoped3A = tpu.sem_alloc : memref<!tpu.dma_semaphore, #tpu.memory_space<semaphore_mem>>
        %dma_start3A_134 = arith.constant 0 : i32
        %dma_start3A_135 = tpu.memref_slice %arg8[%add3A_67, %dma_start3A_134] : memref<84x128xi32, #tpu.memory_space<vmem>> -> memref<1x128xi32, #tpu.memory_space<vmem>>
        %dma_start3A_136 = tpu.memref_squeeze %dma_start3A_135 : memref<1x128xi32, #tpu.memory_space<vmem>> -> memref<128xi32, #tpu.memory_space<vmem>>
        %dma_start3A_137 = arith.constant 0 : i32
        %dma_start3A_138 = arith.constant 0 : i32
        %dma_start3A_139 = tpu.memref_slice %arg13[%dma_start3A_137, %dma_start3A_138] : memref<10240x16xf32, #tpu.memory_space<vmem_shared>> -> memref<10240x16xf32, #tpu.memory_space<vmem_shared>>
        tpu.enqueue_indirect_dma source(%arg9 : memref<128x16xf32, #tpu.memory_space<vmem>>) target(%dma_start3A_139 : memref<10240x16xf32, #tpu.memory_space<vmem_shared>>) offsets(%dma_start3A_136 : memref<128xi32, #tpu.memory_space<vmem>>) semaphore(%run_scoped3A : memref<!tpu.dma_semaphore, #tpu.memory_space<semaphore_mem>>) {add = true}
        %dma_wait3A_140 = arith.constant 0 : i32
        %dma_wait3A_141 = tpu.memref_slice %arg8[%add3A_67, %dma_wait3A_140] : memref<84x128xi32, #tpu.memory_space<vmem>> -> memref<1x128xi32, #tpu.memory_space<vmem>>
        %dma_wait3A_142 = tpu.memref_squeeze %dma_wait3A_141 : memref<1x128xi32, #tpu.memory_space<vmem>> -> memref<128xi32, #tpu.memory_space<vmem>>
        %dma_wait3A_143 = arith.constant 0 : i32
        %dma_wait3A_144 = arith.constant 0 : i32
        %dma_wait3A_145 = tpu.memref_slice %arg13[%dma_wait3A_143, %dma_wait3A_144] : memref<10240x16xf32, #tpu.memory_space<vmem_shared>> -> memref<10240x16xf32, #tpu.memory_space<vmem_shared>>
        tpu.wait_indirect_dma semaphore(%run_scoped3A : memref<!tpu.dma_semaphore, #tpu.memory_space<semaphore_mem>>) src(%arg9 : memref<128x16xf32, #tpu.memory_space<vmem>>) dst(%dma_wait3A_145 : memref<10240x16xf32, #tpu.memory_space<vmem_shared>>)
        tpu.yield
      }) : () -> ()
      %add3A_75 = arith.constant 4 : i32
      %add3A_76 = arith.addi %add3A_67, %add3A_75 : i32
      %dma_start3A_77 = arith.constant 0 : i32
      %dma_start3A_78 = tpu.memref_slice %arg7[%add3A_76, %dma_start3A_77] : memref<84x128xi32, #tpu.memory_space<vmem>> -> memref<1x128xi32, #tpu.memory_space<vmem>>
      %dma_start3A_79 = tpu.memref_squeeze %dma_start3A_78 : memref<1x128xi32, #tpu.memory_space<vmem>> -> memref<128xi32, #tpu.memory_space<vmem>>
      %dma_start3A_80 = arith.constant 0 : i32
      %dma_start3A_81 = arith.constant 0 : i32
      %dma_start3A_82 = tpu.memref_slice %arg2[%dma_start3A_80, %dma_start3A_81] : memref<10000x16xf32, #tpu.memory_space<hbm>> -> memref<10000x16xf32, #tpu.memory_space<hbm>>
      tpu.enqueue_indirect_dma source(%dma_start3A_82 : memref<10000x16xf32, #tpu.memory_space<hbm>>) target(%arg9 : memref<128x16xf32, #tpu.memory_space<vmem>>) offsets(%dma_start3A_79 : memref<128xi32, #tpu.memory_space<vmem>>) semaphore(%arg14 : memref<!tpu.dma_semaphore, #tpu.memory_space<semaphore_mem>>)
      %add3A_83 = arith.constant 1 : i32
      %add3A_84 = arith.addi %mul3A_65, %add3A_83 : i32
      %dma_wait3A_85 = arith.constant 0 : i32
      %dma_wait3A_86 = arith.constant 0 : i32
      %dma_wait3A_87 = tpu.memref_slice %arg7[%dma_wait3A_85, %dma_wait3A_86] : memref<84x128xi32, #tpu.memory_space<vmem>> -> memref<1x128xi32, #tpu.memory_space<vmem>>
      %dma_wait3A_88 = tpu.memref_squeeze %dma_wait3A_87 : memref<1x128xi32, #tpu.memory_space<vmem>> -> memref<128xi32, #tpu.memory_space<vmem>>
      %dma_wait3A_89 = arith.constant 0 : i32
      %dma_wait3A_90 = arith.constant 0 : i32
      %dma_wait3A_91 = tpu.memref_slice %arg2[%dma_wait3A_89, %dma_wait3A_90] : memref<10000x16xf32, #tpu.memory_space<hbm>> -> memref<10000x16xf32, #tpu.memory_space<hbm>>
      tpu.wait_indirect_dma semaphore(%arg15 : memref<!tpu.dma_semaphore, #tpu.memory_space<semaphore_mem>>) src(%dma_wait3A_91 : memref<10000x16xf32, #tpu.memory_space<hbm>>) dst(%arg10 : memref<128x16xf32, #tpu.memory_space<vmem>>)
      "tpu.region"() ({
        %run_scoped3A = tpu.sem_alloc : memref<!tpu.dma_semaphore, #tpu.memory_space<semaphore_mem>>
        %dma_start3A_134 = arith.constant 0 : i32
        %dma_start3A_135 = tpu.memref_slice %arg8[%add3A_84, %dma_start3A_134] : memref<84x128xi32, #tpu.memory_space<vmem>> -> memref<1x128xi32, #tpu.memory_space<vmem>>
        %dma_start3A_136 = tpu.memref_squeeze %dma_start3A_135 : memref<1x128xi32, #tpu.memory_space<vmem>> -> memref<128xi32, #tpu.memory_space<vmem>>
        %dma_start3A_137 = arith.constant 0 : i32
        %dma_start3A_138 = arith.constant 0 : i32
        %dma_start3A_139 = tpu.memref_slice %arg13[%dma_start3A_137, %dma_start3A_138] : memref<10240x16xf32, #tpu.memory_space<vmem_shared>> -> memref<10240x16xf32, #tpu.memory_space<vmem_shared>>
        tpu.enqueue_indirect_dma source(%arg10 : memref<128x16xf32, #tpu.memory_space<vmem>>) target(%dma_start3A_139 : memref<10240x16xf32, #tpu.memory_space<vmem_shared>>) offsets(%dma_start3A_136 : memref<128xi32, #tpu.memory_space<vmem>>) semaphore(%run_scoped3A : memref<!tpu.dma_semaphore, #tpu.memory_space<semaphore_mem>>) {add = true}
        %dma_wait3A_140 = arith.constant 0 : i32
        %dma_wait3A_141 = tpu.memref_slice %arg8[%add3A_84, %dma_wait3A_140] : memref<84x128xi32, #tpu.memory_space<vmem>> -> memref<1x128xi32, #tpu.memory_space<vmem>>
        %dma_wait3A_142 = tpu.memref_squeeze %dma_wait3A_141 : memref<1x128xi32, #tpu.memory_space<vmem>> -> memref<128xi32, #tpu.memory_space<vmem>>
        %dma_wait3A_143 = arith.constant 0 : i32
        %dma_wait3A_144 = arith.constant 0 : i32
        %dma_wait3A_145 = tpu.memref_slice %arg13[%dma_wait3A_143, %dma_wait3A_144] : memref<10240x16xf32, #tpu.memory_space<vmem_shared>> -> memref<10240x16xf32, #tpu.memory_space<vmem_shared>>
        tpu.wait_indirect_dma semaphore(%run_scoped3A : memref<!tpu.dma_semaphore, #tpu.memory_space<semaphore_mem>>) src(%arg10 : memref<128x16xf32, #tpu.memory_space<vmem>>) dst(%dma_wait3A_145 : memref<10240x16xf32, #tpu.memory_space<vmem_shared>>)
        tpu.yield
      }) : () -> ()
      %add3A_92 = arith.constant 4 : i32
      %add3A_93 = arith.addi %add3A_84, %add3A_92 : i32
      %dma_start3A_94 = arith.constant 0 : i32
      %dma_start3A_95 = tpu.memref_slice %arg7[%add3A_93, %dma_start3A_94] : memref<84x128xi32, #tpu.memory_space<vmem>> -> memref<1x128xi32, #tpu.memory_space<vmem>>
      %dma_start3A_96 = tpu.memref_squeeze %dma_start3A_95 : memref<1x128xi32, #tpu.memory_space<vmem>> -> memref<128xi32, #tpu.memory_space<vmem>>
      %dma_start3A_97 = arith.constant 0 : i32
      %dma_start3A_98 = arith.constant 0 : i32
      %dma_start3A_99 = tpu.memref_slice %arg2[%dma_start3A_97, %dma_start3A_98] : memref<10000x16xf32, #tpu.memory_space<hbm>> -> memref<10000x16xf32, #tpu.memory_space<hbm>>
      tpu.enqueue_indirect_dma source(%dma_start3A_99 : memref<10000x16xf32, #tpu.memory_space<hbm>>) target(%arg10 : memref<128x16xf32, #tpu.memory_space<vmem>>) offsets(%dma_start3A_96 : memref<128xi32, #tpu.memory_space<vmem>>) semaphore(%arg15 : memref<!tpu.dma_semaphore, #tpu.memory_space<semaphore_mem>>)
      %add3A_100 = arith.constant 2 : i32
      %add3A_101 = arith.addi %mul3A_65, %add3A_100 : i32
      %dma_wait3A_102 = arith.constant 0 : i32
      %dma_wait3A_103 = arith.constant 0 : i32
      %dma_wait3A_104 = tpu.memref_slice %arg7[%dma_wait3A_102, %dma_wait3A_103] : memref<84x128xi32, #tpu.memory_space<vmem>> -> memref<1x128xi32, #tpu.memory_space<vmem>>
      %dma_wait3A_105 = tpu.memref_squeeze %dma_wait3A_104 : memref<1x128xi32, #tpu.memory_space<vmem>> -> memref<128xi32, #tpu.memory_space<vmem>>
      %dma_wait3A_106 = arith.constant 0 : i32
      %dma_wait3A_107 = arith.constant 0 : i32
      %dma_wait3A_108 = tpu.memref_slice %arg2[%dma_wait3A_106, %dma_wait3A_107] : memref<10000x16xf32, #tpu.memory_space<hbm>> -> memref<10000x16xf32, #tpu.memory_space<hbm>>
      tpu.wait_indirect_dma semaphore(%arg16 : memref<!tpu.dma_semaphore, #tpu.memory_space<semaphore_mem>>) src(%dma_wait3A_108 : memref<10000x16xf32, #tpu.memory_space<hbm>>) dst(%arg11 : memref<128x16xf32, #tpu.memory_space<vmem>>)
      "tpu.region"() ({
        %run_scoped3A = tpu.sem_alloc : memref<!tpu.dma_semaphore, #tpu.memory_space<semaphore_mem>>
        %dma_start3A_134 = arith.constant 0 : i32
        %dma_start3A_135 = tpu.memref_slice %arg8[%add3A_101, %dma_start3A_134] : memref<84x128xi32, #tpu.memory_space<vmem>> -> memref<1x128xi32, #tpu.memory_space<vmem>>
        %dma_start3A_136 = tpu.memref_squeeze %dma_start3A_135 : memref<1x128xi32, #tpu.memory_space<vmem>> -> memref<128xi32, #tpu.memory_space<vmem>>
        %dma_start3A_137 = arith.constant 0 : i32
        %dma_start3A_138 = arith.constant 0 : i32
        %dma_start3A_139 = tpu.memref_slice %arg13[%dma_start3A_137, %dma_start3A_138] : memref<10240x16xf32, #tpu.memory_space<vmem_shared>> -> memref<10240x16xf32, #tpu.memory_space<vmem_shared>>
        tpu.enqueue_indirect_dma source(%arg11 : memref<128x16xf32, #tpu.memory_space<vmem>>) target(%dma_start3A_139 : memref<10240x16xf32, #tpu.memory_space<vmem_shared>>) offsets(%dma_start3A_136 : memref<128xi32, #tpu.memory_space<vmem>>) semaphore(%run_scoped3A : memref<!tpu.dma_semaphore, #tpu.memory_space<semaphore_mem>>) {add = true}
        %dma_wait3A_140 = arith.constant 0 : i32
        %dma_wait3A_141 = tpu.memref_slice %arg8[%add3A_101, %dma_wait3A_140] : memref<84x128xi32, #tpu.memory_space<vmem>> -> memref<1x128xi32, #tpu.memory_space<vmem>>
        %dma_wait3A_142 = tpu.memref_squeeze %dma_wait3A_141 : memref<1x128xi32, #tpu.memory_space<vmem>> -> memref<128xi32, #tpu.memory_space<vmem>>
        %dma_wait3A_143 = arith.constant 0 : i32
        %dma_wait3A_144 = arith.constant 0 : i32
        %dma_wait3A_145 = tpu.memref_slice %arg13[%dma_wait3A_143, %dma_wait3A_144] : memref<10240x16xf32, #tpu.memory_space<vmem_shared>> -> memref<10240x16xf32, #tpu.memory_space<vmem_shared>>
        tpu.wait_indirect_dma semaphore(%run_scoped3A : memref<!tpu.dma_semaphore, #tpu.memory_space<semaphore_mem>>) src(%arg11 : memref<128x16xf32, #tpu.memory_space<vmem>>) dst(%dma_wait3A_145 : memref<10240x16xf32, #tpu.memory_space<vmem_shared>>)
        tpu.yield
      }) : () -> ()
      %add3A_109 = arith.constant 4 : i32
      %add3A_110 = arith.addi %add3A_101, %add3A_109 : i32
      %dma_start3A_111 = arith.constant 0 : i32
      %dma_start3A_112 = tpu.memref_slice %arg7[%add3A_110, %dma_start3A_111] : memref<84x128xi32, #tpu.memory_space<vmem>> -> memref<1x128xi32, #tpu.memory_space<vmem>>
      %dma_start3A_113 = tpu.memref_squeeze %dma_start3A_112 : memref<1x128xi32, #tpu.memory_space<vmem>> -> memref<128xi32, #tpu.memory_space<vmem>>
      %dma_start3A_114 = arith.constant 0 : i32
      %dma_start3A_115 = arith.constant 0 : i32
      %dma_start3A_116 = tpu.memref_slice %arg2[%dma_start3A_114, %dma_start3A_115] : memref<10000x16xf32, #tpu.memory_space<hbm>> -> memref<10000x16xf32, #tpu.memory_space<hbm>>
      tpu.enqueue_indirect_dma source(%dma_start3A_116 : memref<10000x16xf32, #tpu.memory_space<hbm>>) target(%arg11 : memref<128x16xf32, #tpu.memory_space<vmem>>) offsets(%dma_start3A_113 : memref<128xi32, #tpu.memory_space<vmem>>) semaphore(%arg16 : memref<!tpu.dma_semaphore, #tpu.memory_space<semaphore_mem>>)
      %add3A_117 = arith.constant 3 : i32
      %add3A_118 = arith.addi %mul3A_65, %add3A_117 : i32
      %dma_wait3A_119 = arith.constant 0 : i32
      %dma_wait3A_120 = arith.constant 0 : i32
      %dma_wait3A_121 = tpu.memref_slice %arg7[%dma_wait3A_119, %dma_wait3A_120] : memref<84x128xi32, #tpu.memory_space<vmem>> -> memref<1x128xi32, #tpu.memory_space<vmem>>
      %dma_wait3A_122 = tpu.memref_squeeze %dma_wait3A_121 : memref<1x128xi32, #tpu.memory_space<vmem>> -> memref<128xi32, #tpu.memory_space<vmem>>
      %dma_wait3A_123 = arith.constant 0 : i32
      %dma_wait3A_124 = arith.constant 0 : i32
      %dma_wait3A_125 = tpu.memref_slice %arg2[%dma_wait3A_123, %dma_wait3A_124] : memref<10000x16xf32, #tpu.memory_space<hbm>> -> memref<10000x16xf32, #tpu.memory_space<hbm>>
      tpu.wait_indirect_dma semaphore(%arg17 : memref<!tpu.dma_semaphore, #tpu.memory_space<semaphore_mem>>) src(%dma_wait3A_125 : memref<10000x16xf32, #tpu.memory_space<hbm>>) dst(%arg12 : memref<128x16xf32, #tpu.memory_space<vmem>>)
      "tpu.region"() ({
        %run_scoped3A = tpu.sem_alloc : memref<!tpu.dma_semaphore, #tpu.memory_space<semaphore_mem>>
        %dma_start3A_134 = arith.constant 0 : i32
        %dma_start3A_135 = tpu.memref_slice %arg8[%add3A_118, %dma_start3A_134] : memref<84x128xi32, #tpu.memory_space<vmem>> -> memref<1x128xi32, #tpu.memory_space<vmem>>
        %dma_start3A_136 = tpu.memref_squeeze %dma_start3A_135 : memref<1x128xi32, #tpu.memory_space<vmem>> -> memref<128xi32, #tpu.memory_space<vmem>>
        %dma_start3A_137 = arith.constant 0 : i32
        %dma_start3A_138 = arith.constant 0 : i32
        %dma_start3A_139 = tpu.memref_slice %arg13[%dma_start3A_137, %dma_start3A_138] : memref<10240x16xf32, #tpu.memory_space<vmem_shared>> -> memref<10240x16xf32, #tpu.memory_space<vmem_shared>>
        tpu.enqueue_indirect_dma source(%arg12 : memref<128x16xf32, #tpu.memory_space<vmem>>) target(%dma_start3A_139 : memref<10240x16xf32, #tpu.memory_space<vmem_shared>>) offsets(%dma_start3A_136 : memref<128xi32, #tpu.memory_space<vmem>>) semaphore(%run_scoped3A : memref<!tpu.dma_semaphore, #tpu.memory_space<semaphore_mem>>) {add = true}
        %dma_wait3A_140 = arith.constant 0 : i32
        %dma_wait3A_141 = tpu.memref_slice %arg8[%add3A_118, %dma_wait3A_140] : memref<84x128xi32, #tpu.memory_space<vmem>> -> memref<1x128xi32, #tpu.memory_space<vmem>>
        %dma_wait3A_142 = tpu.memref_squeeze %dma_wait3A_141 : memref<1x128xi32, #tpu.memory_space<vmem>> -> memref<128xi32, #tpu.memory_space<vmem>>
        %dma_wait3A_143 = arith.constant 0 : i32
        %dma_wait3A_144 = arith.constant 0 : i32
        %dma_wait3A_145 = tpu.memref_slice %arg13[%dma_wait3A_143, %dma_wait3A_144] : memref<10240x16xf32, #tpu.memory_space<vmem_shared>> -> memref<10240x16xf32, #tpu.memory_space<vmem_shared>>
        tpu.wait_indirect_dma semaphore(%run_scoped3A : memref<!tpu.dma_semaphore, #tpu.memory_space<semaphore_mem>>) src(%arg12 : memref<128x16xf32, #tpu.memory_space<vmem>>) dst(%dma_wait3A_145 : memref<10240x16xf32, #tpu.memory_space<vmem_shared>>)
        tpu.yield
      }) : () -> ()
      %add3A_126 = arith.constant 4 : i32
      %add3A_127 = arith.addi %add3A_118, %add3A_126 : i32
      %dma_start3A_128 = arith.constant 0 : i32
      %dma_start3A_129 = tpu.memref_slice %arg7[%add3A_127, %dma_start3A_128] : memref<84x128xi32, #tpu.memory_space<vmem>> -> memref<1x128xi32, #tpu.memory_space<vmem>>
      %dma_start3A_130 = tpu.memref_squeeze %dma_start3A_129 : memref<1x128xi32, #tpu.memory_space<vmem>> -> memref<128xi32, #tpu.memory_space<vmem>>
      %dma_start3A_131 = arith.constant 0 : i32
      %dma_start3A_132 = arith.constant 0 : i32
      %dma_start3A_133 = tpu.memref_slice %arg2[%dma_start3A_131, %dma_start3A_132] : memref<10000x16xf32, #tpu.memory_space<hbm>> -> memref<10000x16xf32, #tpu.memory_space<hbm>>
      tpu.enqueue_indirect_dma source(%dma_start3A_133 : memref<10000x16xf32, #tpu.memory_space<hbm>>) target(%arg12 : memref<128x16xf32, #tpu.memory_space<vmem>>) offsets(%dma_start3A_130 : memref<128xi32, #tpu.memory_space<vmem>>) semaphore(%arg17 : memref<!tpu.dma_semaphore, #tpu.memory_space<semaphore_mem>>)
    }
    %scan3A_34 = arith.constant 20 : i32
    %dma_wait3A = arith.constant 0 : i32
    %dma_wait3A_35 = arith.constant 0 : i32
    %dma_wait3A_36 = tpu.memref_slice %arg7[%dma_wait3A, %dma_wait3A_35] : memref<84x128xi32, #tpu.memory_space<vmem>> -> memref<1x128xi32, #tpu.memory_space<vmem>>
    %dma_wait3A_37 = tpu.memref_squeeze %dma_wait3A_36 : memref<1x128xi32, #tpu.memory_space<vmem>> -> memref<128xi32, #tpu.memory_space<vmem>>
    %dma_wait3A_38 = arith.constant 0 : i32
    %dma_wait3A_39 = arith.constant 0 : i32
    %dma_wait3A_40 = tpu.memref_slice %arg2[%dma_wait3A_38, %dma_wait3A_39] : memref<10000x16xf32, #tpu.memory_space<hbm>> -> memref<10000x16xf32, #tpu.memory_space<hbm>>
    tpu.wait_indirect_dma semaphore(%arg14 : memref<!tpu.dma_semaphore, #tpu.memory_space<semaphore_mem>>) src(%dma_wait3A_40 : memref<10000x16xf32, #tpu.memory_space<hbm>>) dst(%arg9 : memref<128x16xf32, #tpu.memory_space<vmem>>)
    %dma_wait3A_41 = arith.constant 0 : i32
    %dma_wait3A_42 = arith.constant 0 : i32
    %dma_wait3A_43 = tpu.memref_slice %arg7[%dma_wait3A_41, %dma_wait3A_42] : memref<84x128xi32, #tpu.memory_space<vmem>> -> memref<1x128xi32, #tpu.memory_space<vmem>>
    %dma_wait3A_44 = tpu.memref_squeeze %dma_wait3A_43 : memref<1x128xi32, #tpu.memory_space<vmem>> -> memref<128xi32, #tpu.memory_space<vmem>>
    %dma_wait3A_45 = arith.constant 0 : i32
    %dma_wait3A_46 = arith.constant 0 : i32
    %dma_wait3A_47 = tpu.memref_slice %arg2[%dma_wait3A_45, %dma_wait3A_46] : memref<10000x16xf32, #tpu.memory_space<hbm>> -> memref<10000x16xf32, #tpu.memory_space<hbm>>
    tpu.wait_indirect_dma semaphore(%arg15 : memref<!tpu.dma_semaphore, #tpu.memory_space<semaphore_mem>>) src(%dma_wait3A_47 : memref<10000x16xf32, #tpu.memory_space<hbm>>) dst(%arg10 : memref<128x16xf32, #tpu.memory_space<vmem>>)
    %dma_wait3A_48 = arith.constant 0 : i32
    %dma_wait3A_49 = arith.constant 0 : i32
    %dma_wait3A_50 = tpu.memref_slice %arg7[%dma_wait3A_48, %dma_wait3A_49] : memref<84x128xi32, #tpu.memory_space<vmem>> -> memref<1x128xi32, #tpu.memory_space<vmem>>
    %dma_wait3A_51 = tpu.memref_squeeze %dma_wait3A_50 : memref<1x128xi32, #tpu.memory_space<vmem>> -> memref<128xi32, #tpu.memory_space<vmem>>
    %dma_wait3A_52 = arith.constant 0 : i32
    %dma_wait3A_53 = arith.constant 0 : i32
    %dma_wait3A_54 = tpu.memref_slice %arg2[%dma_wait3A_52, %dma_wait3A_53] : memref<10000x16xf32, #tpu.memory_space<hbm>> -> memref<10000x16xf32, #tpu.memory_space<hbm>>
    tpu.wait_indirect_dma semaphore(%arg16 : memref<!tpu.dma_semaphore, #tpu.memory_space<semaphore_mem>>) src(%dma_wait3A_54 : memref<10000x16xf32, #tpu.memory_space<hbm>>) dst(%arg11 : memref<128x16xf32, #tpu.memory_space<vmem>>)
    %dma_wait3A_55 = arith.constant 0 : i32
    %dma_wait3A_56 = arith.constant 0 : i32
    %dma_wait3A_57 = tpu.memref_slice %arg7[%dma_wait3A_55, %dma_wait3A_56] : memref<84x128xi32, #tpu.memory_space<vmem>> -> memref<1x128xi32, #tpu.memory_space<vmem>>
    %dma_wait3A_58 = tpu.memref_squeeze %dma_wait3A_57 : memref<1x128xi32, #tpu.memory_space<vmem>> -> memref<128xi32, #tpu.memory_space<vmem>>
    %dma_wait3A_59 = arith.constant 0 : i32
    %dma_wait3A_60 = arith.constant 0 : i32
    %dma_wait3A_61 = tpu.memref_slice %arg2[%dma_wait3A_59, %dma_wait3A_60] : memref<10000x16xf32, #tpu.memory_space<hbm>> -> memref<10000x16xf32, #tpu.memory_space<hbm>>
    tpu.wait_indirect_dma semaphore(%arg17 : memref<!tpu.dma_semaphore, #tpu.memory_space<semaphore_mem>>) src(%dma_wait3A_61 : memref<10000x16xf32, #tpu.memory_space<hbm>>) dst(%arg12 : memref<128x16xf32, #tpu.memory_space<vmem>>)
    %barrier3A_62 = arith.constant 0 : index
    tpu.barrier barrier_id(%barrier3A_62)
    "tpu.region"() ({
      %run_scoped3A = tpu.sem_alloc : memref<!tpu.dma_semaphore, #tpu.memory_space<semaphore_mem>>
      %dma_start3A_63 = arith.constant 0 : i32
      %dma_start3A_64 = tpu.memref_slice %arg6[%arg0, %mul3A_2, %dma_start3A_63] : memref<2x10240x16xf32, #tpu.memory_space<hbm>> -> memref<1x640x16xf32, #tpu.memory_space<hbm>>
      %dma_start3A_65 = tpu.memref_squeeze %dma_start3A_64 : memref<1x640x16xf32, #tpu.memory_space<hbm>> -> memref<640x16xf32, #tpu.memory_space<hbm>>
      %dma_start3A_66 = arith.constant 0 : i32
      %dma_start3A_67 = tpu.memref_slice %arg13[%mul3A_2, %dma_start3A_66] : memref<10240x16xf32, #tpu.memory_space<vmem_shared>> -> memref<640x16xf32, #tpu.memory_space<vmem_shared>>
      tpu.enqueue_dma source(%dma_start3A_67 : memref<640x16xf32, #tpu.memory_space<vmem_shared>>) target(%dma_start3A_65 : memref<640x16xf32, #tpu.memory_space<hbm>>) target_semaphore(%run_scoped3A : memref<!tpu.dma_semaphore, #tpu.memory_space<semaphore_mem>>)
      %dma_wait3A_68 = arith.constant 0 : i32
      %dma_wait3A_69 = tpu.memref_slice %arg6[%arg0, %mul3A_2, %dma_wait3A_68] : memref<2x10240x16xf32, #tpu.memory_space<hbm>> -> memref<1x640x16xf32, #tpu.memory_space<hbm>>
      %dma_wait3A_70 = tpu.memref_squeeze %dma_wait3A_69 : memref<1x640x16xf32, #tpu.memory_space<hbm>> -> memref<640x16xf32, #tpu.memory_space<hbm>>
      %dma_wait3A_71 = arith.constant 0 : i32
      %dma_wait3A_72 = tpu.memref_slice %arg13[%mul3A_2, %dma_wait3A_71] : memref<10240x16xf32, #tpu.memory_space<vmem_shared>> -> memref<640x16xf32, #tpu.memory_space<vmem_shared>>
      tpu.wait_dma2 semaphore(%run_scoped3A : memref<!tpu.dma_semaphore, #tpu.memory_space<semaphore_mem>>) src(%dma_wait3A_72 : memref<640x16xf32, #tpu.memory_space<vmem_shared>>) dst(%dma_wait3A_70 : memref<640x16xf32, #tpu.memory_space<hbm>>)
      tpu.yield
    }) : () -> ()
    return
  }
}

module attributes {stable_mosaic.version = 14 : i64} {
  func.func @_proj_body(%arg0: i32, %arg1: memref<1000x128xf32, #tpu.memory_space<vmem>>, %arg2: memref<128x16xf32, #tpu.memory_space<vmem>>, %arg3: memref<128x16xf32, #tpu.memory_space<vmem>>, %arg4: memref<1000x16xf32, #tpu.memory_space<vmem>>, %arg5: memref<1000x16xf32, #tpu.memory_space<vmem>>) attributes {dimension_semantics = [#tpu.dimension_semantics<arbitrary>], iteration_bounds = array<i64: 10>, scalar_prefetch = 0 : i64, scratch_operands = 0 : i64, tpu.core_type = #tpu.core_type<tc>, window_params = [{transform_indices = @transform_0, window_bounds = array<i64: 1000, 128>}, {pipeline_mode = #tpu.pipeline_mode<synchronous>, transform_indices = @transform_1, window_bounds = array<i64: 128, 16>}, {pipeline_mode = #tpu.pipeline_mode<synchronous>, transform_indices = @transform_2, window_bounds = array<i64: 128, 16>}, {transform_indices = @transform_3, window_bounds = array<i64: 1000, 16>}, {transform_indices = @transform_4, window_bounds = array<i64: 1000, 16>}]} {
    %get3A = arith.constant 0 : index
    %get3A_0 = arith.constant 0 : index
    %get3A_1 = vector.load %arg1[%get3A, %get3A_0] : memref<1000x128xf32, #tpu.memory_space<vmem>>, vector<1000x128xf32>
    %get3A_2 = arith.constant 0 : index
    %get3A_3 = arith.constant 0 : index
    %get3A_4 = vector.load %arg2[%get3A_2, %get3A_3] : memref<128x16xf32, #tpu.memory_space<vmem>>, vector<128x16xf32>
    %dot_general3A = arith.constant dense<0.000000e+00> : vector<1000x16xf32>
    %dot_general3A_5 = tpu.matmul %get3A_1, %get3A_4, %dot_general3A {dimension_numbers = #tpu.dot_dimension_numbers<[1], [0], [0], [1], [0, 0, 1, 1], [], []>, transpose_lhs_hint = false} : vector<1000x128xf32>, vector<128x16xf32>, vector<1000x16xf32> -> vector<1000x16xf32>
    %swap3A = arith.constant 0 : index
    %swap3A_6 = arith.constant 0 : index
    %swap3A_7 = vector.load %arg4[%swap3A, %swap3A_6] : memref<1000x16xf32, #tpu.memory_space<vmem>>, vector<1000x16xf32>
    tpu.vector_store %arg4[%swap3A, %swap3A_6], %dot_general3A_5 {strides = array<i32>} : memref<1000x16xf32, #tpu.memory_space<vmem>>, vector<1000x16xf32>,
    %get3A_8 = arith.constant 0 : index
    %get3A_9 = arith.constant 0 : index
    %get3A_10 = vector.load %arg3[%get3A_8, %get3A_9] : memref<128x16xf32, #tpu.memory_space<vmem>>, vector<128x16xf32>
    %dot_general3A_11 = arith.constant dense<0.000000e+00> : vector<1000x16xf32>
    %dot_general3A_12 = tpu.matmul %get3A_1, %get3A_10, %dot_general3A_11 {dimension_numbers = #tpu.dot_dimension_numbers<[1], [0], [0], [1], [0, 0, 1, 1], [], []>, transpose_lhs_hint = false} : vector<1000x128xf32>, vector<128x16xf32>, vector<1000x16xf32> -> vector<1000x16xf32>
    %swap3A_13 = arith.constant 0 : index
    %swap3A_14 = arith.constant 0 : index
    %swap3A_15 = vector.load %arg5[%swap3A_13, %swap3A_14] : memref<1000x16xf32, #tpu.memory_space<vmem>>, vector<1000x16xf32>
    tpu.vector_store %arg5[%swap3A_13, %swap3A_14], %dot_general3A_12 {strides = array<i32>} : memref<1000x16xf32, #tpu.memory_space<vmem>>, vector<1000x16xf32>,
    return
  }
  func.func @transform_0(%arg0: i32) -> (i32, i32) {
    %c0_i32 = arith.constant 0 : i32
    %c0_i32_0 = arith.constant 0 : i32
    return %arg0, %c0_i32 : i32, i32
  }
  func.func @transform_1(%arg0: i32) -> (i32, i32) {
    %c0_i32 = arith.constant 0 : i32
    %c0_i32_0 = arith.constant 0 : i32
    %c0_i32_1 = arith.constant 0 : i32
    return %c0_i32, %c0_i32_0 : i32, i32
  }
  func.func @transform_2(%arg0: i32) -> (i32, i32) {
    %c0_i32 = arith.constant 0 : i32
    %c0_i32_0 = arith.constant 0 : i32
    %c0_i32_1 = arith.constant 0 : i32
    return %c0_i32, %c0_i32_0 : i32, i32
  }
  func.func @transform_3(%arg0: i32) -> (i32, i32) {
    %c0_i32 = arith.constant 0 : i32
    %c0_i32_0 = arith.constant 0 : i32
    return %arg0, %c0_i32 : i32, i32
  }
  func.func @transform_4(%arg0: i32) -> (i32, i32) {
    %c0_i32 = arith.constant 0 : i32
    %c0_i32_0 = arith.constant 0 : i32
    return %arg0, %c0_i32 : i32, i32
  }
}

module attributes {stable_mosaic.version = 14 : i64} {
  func.func @_mid_body(%arg0: memref<2x10240x16xf32, #tpu.memory_space<vmem>>, %arg1: memref<2x10240x1xf32, #tpu.memory_space<vmem>>, %arg2: memref<10000x16xf32, #tpu.memory_space<vmem>>, %arg3: memref<1x16xf32, #tpu.memory_space<vmem>>, %arg4: memref<1x16xf32, #tpu.memory_space<vmem>>, %arg5: memref<1x16xf32, #tpu.memory_space<vmem>>, %arg6: memref<16x16xf32, #tpu.memory_space<vmem>>, %arg7: memref<16x16xf32, #tpu.memory_space<vmem>>, %arg8: memref<1x16xf32, #tpu.memory_space<vmem>>, %arg9: memref<10000x16xf32, #tpu.memory_space<vmem>>, %arg10: memref<10000x16xf32, #tpu.memory_space<vmem>>) attributes {dimension_semantics = [], scalar_prefetch = 0 : i64, scratch_operands = 0 : i64, tpu.core_type = #tpu.core_type<tc>} {
    %get3A = arith.constant 0 : index
    %get3A_0 = arith.constant 0 : index
    %get3A_1 = arith.constant 0 : index
    %get3A_2 = vector.load %arg0[%get3A, %get3A_0, %get3A_1] : memref<2x10240x16xf32, #tpu.memory_space<vmem>>, vector<1x10240x16xf32>
    %get3A_3 = vector.shape_cast %get3A_2 : vector<1x10240x16xf32> to vector<10240x16xf32>
    %get3A_4 = arith.constant 1 : index
    %get3A_5 = arith.constant 0 : index
    %get3A_6 = arith.constant 0 : index
    %get3A_7 = vector.load %arg0[%get3A_4, %get3A_5, %get3A_6] : memref<2x10240x16xf32, #tpu.memory_space<vmem>>, vector<1x10240x16xf32>
    %get3A_8 = vector.shape_cast %get3A_7 : vector<1x10240x16xf32> to vector<10240x16xf32>
    %add3A = arith.addf %get3A_3, %get3A_8 : vector<10240x16xf32>
    %slice3A = vector.extract_strided_slice %add3A {offsets = [0, 0], sizes = [10000, 16], strides = [1, 1]} : vector<10240x16xf32> to vector<10000x16xf32>
    %get3A_9 = arith.constant 0 : index
    %get3A_10 = arith.constant 0 : index
    %get3A_11 = arith.constant 0 : index
    %get3A_12 = vector.load %arg1[%get3A_9, %get3A_10, %get3A_11] : memref<2x10240x1xf32, #tpu.memory_space<vmem>>, vector<1x10240x1xf32>
    %get3A_13 = vector.shape_cast %get3A_12 : vector<1x10240x1xf32> to vector<10240x1xf32>
    %get3A_14 = arith.constant 1 : index
    %get3A_15 = arith.constant 0 : index
    %get3A_16 = arith.constant 0 : index
    %get3A_17 = vector.load %arg1[%get3A_14, %get3A_15, %get3A_16] : memref<2x10240x1xf32, #tpu.memory_space<vmem>>, vector<1x10240x1xf32>
    %get3A_18 = vector.shape_cast %get3A_17 : vector<1x10240x1xf32> to vector<10240x1xf32>
    %add3A_19 = arith.addf %get3A_13, %get3A_18 : vector<10240x1xf32>
    %slice3A_20 = vector.extract_strided_slice %add3A_19 {offsets = [0, 0], sizes = [10000, 1], strides = [1, 1]} : vector<10240x1xf32> to vector<10000x1xf32>
    %max3A = arith.constant 1.000000e+00 : f32
    %max3A_21 = vector.broadcast %max3A : f32 to vector<10000x1xf32>
    %max3A_22 = arith.maximumf %slice3A_20, %max3A_21 : vector<10000x1xf32>
    %div3A = vector.broadcast %max3A_22 : vector<10000x1xf32> to vector<10000x16xf32>
    %div3A_23 = arith.divf %slice3A, %div3A : vector<10000x16xf32>
    %get3A_24 = arith.constant 0 : index
    %get3A_25 = arith.constant 0 : index
    %get3A_26 = vector.load %arg3[%get3A_24, %get3A_25] : memref<1x16xf32, #tpu.memory_space<vmem>>, vector<1x16xf32>
    %add3A_27 = vector.broadcast %get3A_26 : vector<1x16xf32> to vector<10000x16xf32>
    %add3A_28 = arith.addf %div3A_23, %add3A_27 : vector<10000x16xf32>
    %get3A_29 = arith.constant 0 : index
    %get3A_30 = arith.constant 0 : index
    %get3A_31 = vector.load %arg2[%get3A_29, %get3A_30] : memref<10000x16xf32, #tpu.memory_space<vmem>>, vector<10000x16xf32>
    %add3A_32 = arith.addf %add3A_28, %get3A_31 : vector<10000x16xf32>
    %max3A_33 = arith.constant 0.000000e+00 : f32
    %max3A_34 = vector.broadcast %max3A_33 : f32 to vector<10000x16xf32>
    %max3A_35 = arith.maximumf %add3A_32, %max3A_34 : vector<10000x16xf32>
    %reduce_sum3A = arith.constant dense<0.000000e+00> : vector<16xf32>
    %reduce_sum3A_36 = vector.multi_reduction <add>, %max3A_35, %reduce_sum3A [0] : vector<10000x16xf32> to vector<16xf32>
    %broadcast_in_dim3A = vector.shape_cast %reduce_sum3A_36 : vector<16xf32> to vector<1x16xf32>
    %div3A_37 = arith.constant 1.000000e+04 : f32
    %div3A_38 = vector.broadcast %div3A_37 : f32 to vector<1x16xf32>
    %div3A_39 = arith.divf %broadcast_in_dim3A, %div3A_38 : vector<1x16xf32>
    %sub3A = vector.broadcast %div3A_39 : vector<1x16xf32> to vector<10000x16xf32>
    %sub3A_40 = arith.subf %max3A_35, %sub3A : vector<10000x16xf32>
    %sub3A_41 = vector.broadcast %div3A_39 : vector<1x16xf32> to vector<10000x16xf32>
    %sub3A_42 = arith.subf %max3A_35, %sub3A_41 : vector<10000x16xf32>
    %mul3A = arith.mulf %sub3A_40, %sub3A_42 : vector<10000x16xf32>
    %reduce_sum3A_43 = arith.constant dense<0.000000e+00> : vector<16xf32>
    %reduce_sum3A_44 = vector.multi_reduction <add>, %mul3A, %reduce_sum3A_43 [0] : vector<10000x16xf32> to vector<16xf32>
    %broadcast_in_dim3A_45 = vector.shape_cast %reduce_sum3A_44 : vector<16xf32> to vector<1x16xf32>
    %div3A_46 = arith.constant 1.000000e+04 : f32
    %div3A_47 = vector.broadcast %div3A_46 : f32 to vector<1x16xf32>
    %div3A_48 = arith.divf %broadcast_in_dim3A_45, %div3A_47 : vector<1x16xf32>
    %sub3A_49 = vector.broadcast %div3A_39 : vector<1x16xf32> to vector<10000x16xf32>
    %sub3A_50 = arith.subf %max3A_35, %sub3A_49 : vector<10000x16xf32>
    %add3A_51 = arith.constant 9.99999974E-6 : f32
    %add3A_52 = vector.broadcast %add3A_51 : f32 to vector<1x16xf32>
    %add3A_53 = arith.addf %div3A_48, %add3A_52 : vector<1x16xf32>
    %rsqrt3A = math.rsqrt %add3A_53 : vector<1x16xf32>
    %mul3A_54 = vector.broadcast %rsqrt3A : vector<1x16xf32> to vector<10000x16xf32>
    %mul3A_55 = arith.mulf %sub3A_50, %mul3A_54 : vector<10000x16xf32>
    %get3A_56 = arith.constant 0 : index
    %get3A_57 = arith.constant 0 : index
    %get3A_58 = vector.load %arg4[%get3A_56, %get3A_57] : memref<1x16xf32, #tpu.memory_space<vmem>>, vector<1x16xf32>
    %mul3A_59 = vector.broadcast %get3A_58 : vector<1x16xf32> to vector<10000x16xf32>
    %mul3A_60 = arith.mulf %mul3A_55, %mul3A_59 : vector<10000x16xf32>
    %get3A_61 = arith.constant 0 : index
    %get3A_62 = arith.constant 0 : index
    %get3A_63 = vector.load %arg5[%get3A_61, %get3A_62] : memref<1x16xf32, #tpu.memory_space<vmem>>, vector<1x16xf32>
    %add3A_64 = vector.broadcast %get3A_63 : vector<1x16xf32> to vector<10000x16xf32>
    %add3A_65 = arith.addf %mul3A_60, %add3A_64 : vector<10000x16xf32>
    %get3A_66 = arith.constant 0 : index
    %get3A_67 = arith.constant 0 : index
    %get3A_68 = vector.load %arg6[%get3A_66, %get3A_67] : memref<16x16xf32, #tpu.memory_space<vmem>>, vector<16x16xf32>
    %dot_general3A = arith.constant dense<0.000000e+00> : vector<10000x16xf32>
    %dot_general3A_69 = tpu.matmul %add3A_65, %get3A_68, %dot_general3A {dimension_numbers = #tpu.dot_dimension_numbers<[1], [0], [0], [1], [0, 0, 1, 1], [], []>, transpose_lhs_hint = false} : vector<10000x16xf32>, vector<16x16xf32>, vector<10000x16xf32> -> vector<10000x16xf32>
    %swap3A = arith.constant 0 : index
    %swap3A_70 = arith.constant 0 : index
    %swap3A_71 = vector.load %arg9[%swap3A, %swap3A_70] : memref<10000x16xf32, #tpu.memory_space<vmem>>, vector<10000x16xf32>
    tpu.vector_store %arg9[%swap3A, %swap3A_70], %dot_general3A_69 {strides = array<i32>} : memref<10000x16xf32, #tpu.memory_space<vmem>>, vector<10000x16xf32>,
    %get3A_72 = arith.constant 0 : index
    %get3A_73 = arith.constant 0 : index
    %get3A_74 = vector.load %arg7[%get3A_72, %get3A_73] : memref<16x16xf32, #tpu.memory_space<vmem>>, vector<16x16xf32>
    %dot_general3A_75 = arith.constant dense<0.000000e+00> : vector<10000x16xf32>
    %dot_general3A_76 = tpu.matmul %add3A_65, %get3A_74, %dot_general3A_75 {dimension_numbers = #tpu.dot_dimension_numbers<[1], [0], [0], [1], [0, 0, 1, 1], [], []>, transpose_lhs_hint = false} : vector<10000x16xf32>, vector<16x16xf32>, vector<10000x16xf32> -> vector<10000x16xf32>
    %get3A_77 = arith.constant 0 : index
    %get3A_78 = arith.constant 0 : index
    %get3A_79 = vector.load %arg8[%get3A_77, %get3A_78] : memref<1x16xf32, #tpu.memory_space<vmem>>, vector<1x16xf32>
    %add3A_80 = vector.broadcast %get3A_79 : vector<1x16xf32> to vector<10000x16xf32>
    %add3A_81 = arith.addf %dot_general3A_76, %add3A_80 : vector<10000x16xf32>
    %swap3A_82 = arith.constant 0 : index
    %swap3A_83 = arith.constant 0 : index
    %swap3A_84 = vector.load %arg10[%swap3A_82, %swap3A_83] : memref<10000x16xf32, #tpu.memory_space<vmem>>, vector<10000x16xf32>
    tpu.vector_store %arg10[%swap3A_82, %swap3A_83], %add3A_81 {strides = array<i32>} : memref<10000x16xf32, #tpu.memory_space<vmem>>, vector<10000x16xf32>,
    return
  }
}

module attributes {stable_mosaic.version = 14 : i64} {
  func.func @_head_body(%arg0: memref<2x10240x16xf32, #tpu.memory_space<vmem>>, %arg1: memref<2x10240x1xf32, #tpu.memory_space<vmem>>, %arg2: memref<10000x16xf32, #tpu.memory_space<vmem>>, %arg3: memref<10000x1xi32, #tpu.memory_space<vmem>>, %arg4: memref<16x16xf32, #tpu.memory_space<vmem>>, %arg5: memref<1x16xf32, #tpu.memory_space<vmem>>, %arg6: memref<1x16xf32, #tpu.memory_space<vmem>>, %arg7: memref<1x16xf32, #tpu.memory_space<vmem>>, %arg8: memref<32x16xf32, #tpu.memory_space<vmem>>, %arg9: memref<1x16xf32, #tpu.memory_space<vmem>>, %arg10: memref<1x32xf32, #tpu.memory_space<vmem>>, %arg11: memref<1x32xf32, #tpu.memory_space<vmem>>, %arg12: memref<32x16xf32, #tpu.memory_space<vmem>>, %arg13: memref<1x16xf32, #tpu.memory_space<vmem>>, %arg14: memref<1x32xf32, #tpu.memory_space<vmem>>, %arg15: memref<1x32xf32, #tpu.memory_space<vmem>>, %arg16: memref<16x16xf32, #tpu.memory_space<vmem>>, %arg17: memref<1x16xf32, #tpu.memory_space<vmem>>, %arg18: memref<16x16xf32, #tpu.memory_space<vmem>>, %arg19: memref<1x16xf32, #tpu.memory_space<vmem>>, %arg20: memref<16x4xf32, #tpu.memory_space<vmem>>, %arg21: memref<1x4xf32, #tpu.memory_space<vmem>>, %arg22: memref<64x16xf32, #tpu.memory_space<vmem>>, %arg23: memref<64x16xf32, #tpu.memory_space<vmem>>, %arg24: memref<64x4xf32, #tpu.memory_space<vmem>>) attributes {dimension_semantics = [], scalar_prefetch = 0 : i64, scratch_operands = 0 : i64, tpu.core_type = #tpu.core_type<tc>} {
    %get3A = arith.constant 0 : index
    %get3A_0 = arith.constant 0 : index
    %get3A_1 = arith.constant 0 : index
    %get3A_2 = vector.load %arg0[%get3A, %get3A_0, %get3A_1] : memref<2x10240x16xf32, #tpu.memory_space<vmem>>, vector<1x10240x16xf32>
    %get3A_3 = vector.shape_cast %get3A_2 : vector<1x10240x16xf32> to vector<10240x16xf32>
    %get3A_4 = arith.constant 1 : index
    %get3A_5 = arith.constant 0 : index
    %get3A_6 = arith.constant 0 : index
    %get3A_7 = vector.load %arg0[%get3A_4, %get3A_5, %get3A_6] : memref<2x10240x16xf32, #tpu.memory_space<vmem>>, vector<1x10240x16xf32>
    %get3A_8 = vector.shape_cast %get3A_7 : vector<1x10240x16xf32> to vector<10240x16xf32>
    %add3A = arith.addf %get3A_3, %get3A_8 : vector<10240x16xf32>
    %slice3A = vector.extract_strided_slice %add3A {offsets = [0, 0], sizes = [10000, 16], strides = [1, 1]} : vector<10240x16xf32> to vector<10000x16xf32>
    %get3A_9 = arith.constant 0 : index
    %get3A_10 = arith.constant 0 : index
    %get3A_11 = arith.constant 0 : index
    %get3A_12 = vector.load %arg1[%get3A_9, %get3A_10, %get3A_11] : memref<2x10240x1xf32, #tpu.memory_space<vmem>>, vector<1x10240x1xf32>
    %get3A_13 = vector.shape_cast %get3A_12 : vector<1x10240x1xf32> to vector<10240x1xf32>
    %get3A_14 = arith.constant 1 : index
    %get3A_15 = arith.constant 0 : index
    %get3A_16 = arith.constant 0 : index
    %get3A_17 = vector.load %arg1[%get3A_14, %get3A_15, %get3A_16] : memref<2x10240x1xf32, #tpu.memory_space<vmem>>, vector<1x10240x1xf32>
    %get3A_18 = vector.shape_cast %get3A_17 : vector<1x10240x1xf32> to vector<10240x1xf32>
    %add3A_19 = arith.addf %get3A_13, %get3A_18 : vector<10240x1xf32>
    %slice3A_20 = vector.extract_strided_slice %add3A_19 {offsets = [0, 0], sizes = [10000, 1], strides = [1, 1]} : vector<10240x1xf32> to vector<10000x1xf32>
    %max3A = arith.constant 1.000000e+00 : f32
    %max3A_21 = vector.broadcast %max3A : f32 to vector<10000x1xf32>
    %max3A_22 = arith.maximumf %slice3A_20, %max3A_21 : vector<10000x1xf32>
    %div3A = vector.broadcast %max3A_22 : vector<10000x1xf32> to vector<10000x16xf32>
    %div3A_23 = arith.divf %slice3A, %div3A : vector<10000x16xf32>
    %get3A_24 = arith.constant 0 : index
    %get3A_25 = arith.constant 0 : index
    %get3A_26 = vector.load %arg2[%get3A_24, %get3A_25] : memref<10000x16xf32, #tpu.memory_space<vmem>>, vector<10000x16xf32>
    %add3A_27 = arith.addf %div3A_23, %get3A_26 : vector<10000x16xf32>
    %max3A_28 = arith.constant 0.000000e+00 : f32
    %max3A_29 = vector.broadcast %max3A_28 : f32 to vector<10000x16xf32>
    %max3A_30 = arith.maximumf %add3A_27, %max3A_29 : vector<10000x16xf32>
    %get3A_31 = arith.constant 0 : index
    %get3A_32 = arith.constant 0 : index
    %get3A_33 = vector.load %arg3[%get3A_31, %get3A_32] : memref<10000x1xi32, #tpu.memory_space<vmem>>, vector<10000x1xi32>
    %iota3A = tpu.iota {dimensions = array<i32: 1>} : vector<1x64xi32>
    %eq3A = vector.broadcast %get3A_33 : vector<10000x1xi32> to vector<10000x64xi32>
    %eq3A_34 = vector.broadcast %iota3A : vector<1x64xi32> to vector<10000x64xi32>
    %eq3A_35 = arith.cmpi eq, %eq3A, %eq3A_34 : vector<10000x64xi32>
    %convert_element_type3A = arith.extui %eq3A_35 : vector<10000x64xi1> to vector<10000x64xi32>
    %convert_element_type3A_36 = arith.sitofp %convert_element_type3A : vector<10000x64xi32> to vector<10000x64xf32>
    %broadcast_in_dim3A = arith.constant 1.000000e+00 : f32
    %broadcast_in_dim3A_37 = vector.broadcast %broadcast_in_dim3A : f32 to vector<10000x1xf32>
    %concatenate3A = tpu.concatenate %max3A_30, %broadcast_in_dim3A_37 in 1 : vector<10000x16xf32>, vector<10000x1xf32> -> vector<10000x17xf32>
    %dot_general3A = arith.constant dense<0.000000e+00> : vector<64x17xf32>
    %dot_general3A_38 = tpu.matmul %convert_element_type3A_36, %concatenate3A, %dot_general3A {dimension_numbers = #tpu.dot_dimension_numbers<[0], [0], [1], [1], [0, 1, 1, 1], [], []>, transpose_lhs_hint = false} : vector<10000x64xf32>, vector<10000x17xf32>, vector<64x17xf32> -> vector<64x17xf32>
    %slice3A_39 = vector.extract_strided_slice %dot_general3A_38 {offsets = [0, 0], sizes = [64, 16], strides = [1, 1]} : vector<64x17xf32> to vector<64x16xf32>
    %slice3A_40 = vector.extract_strided_slice %dot_general3A_38 {offsets = [0, 16], sizes = [64, 1], strides = [1, 1]} : vector<64x17xf32> to vector<64x1xf32>
    %max3A_41 = arith.constant 1.000000e+00 : f32
    %max3A_42 = vector.broadcast %max3A_41 : f32 to vector<64x1xf32>
    %max3A_43 = arith.maximumf %slice3A_40, %max3A_42 : vector<64x1xf32>
    %div3A_44 = vector.broadcast %max3A_43 : vector<64x1xf32> to vector<64x16xf32>
    %div3A_45 = arith.divf %slice3A_39, %div3A_44 : vector<64x16xf32>
    %get3A_46 = arith.constant 0 : index
    %get3A_47 = arith.constant 0 : index
    %get3A_48 = vector.load %arg6[%get3A_46, %get3A_47] : memref<1x16xf32, #tpu.memory_space<vmem>>, vector<1x16xf32>
    %get3A_49 = arith.constant 0 : index
    %get3A_50 = arith.constant 0 : index
    %get3A_51 = vector.load %arg7[%get3A_49, %get3A_50] : memref<1x16xf32, #tpu.memory_space<vmem>>, vector<1x16xf32>
    %reduce_sum3A = arith.constant dense<0.000000e+00> : vector<16xf32>
    %reduce_sum3A_52 = vector.multi_reduction <add>, %div3A_45, %reduce_sum3A [0] : vector<64x16xf32> to vector<16xf32>
    %broadcast_in_dim3A_53 = vector.shape_cast %reduce_sum3A_52 : vector<16xf32> to vector<1x16xf32>
    %div3A_54 = arith.constant 6.400000e+01 : f32
    %div3A_55 = vector.broadcast %div3A_54 : f32 to vector<1x16xf32>
    %div3A_56 = arith.divf %broadcast_in_dim3A_53, %div3A_55 : vector<1x16xf32>
    %sub3A = vector.broadcast %div3A_56 : vector<1x16xf32> to vector<64x16xf32>
    %sub3A_57 = arith.subf %div3A_45, %sub3A : vector<64x16xf32>
    %sub3A_58 = vector.broadcast %div3A_56 : vector<1x16xf32> to vector<64x16xf32>
    %sub3A_59 = arith.subf %div3A_45, %sub3A_58 : vector<64x16xf32>
    %mul3A = arith.mulf %sub3A_57, %sub3A_59 : vector<64x16xf32>
    %reduce_sum3A_60 = arith.constant dense<0.000000e+00> : vector<16xf32>
    %reduce_sum3A_61 = vector.multi_reduction <add>, %mul3A, %reduce_sum3A_60 [0] : vector<64x16xf32> to vector<16xf32>
    %broadcast_in_dim3A_62 = vector.shape_cast %reduce_sum3A_61 : vector<16xf32> to vector<1x16xf32>
    %div3A_63 = arith.constant 6.400000e+01 : f32
    %div3A_64 = vector.broadcast %div3A_63 : f32 to vector<1x16xf32>
    %div3A_65 = arith.divf %broadcast_in_dim3A_62, %div3A_64 : vector<1x16xf32>
    %sub3A_66 = vector.broadcast %div3A_56 : vector<1x16xf32> to vector<64x16xf32>
    %sub3A_67 = arith.subf %div3A_45, %sub3A_66 : vector<64x16xf32>
    %add3A_68 = arith.constant 9.99999974E-6 : f32
    %add3A_69 = vector.broadcast %add3A_68 : f32 to vector<1x16xf32>
    %add3A_70 = arith.addf %div3A_65, %add3A_69 : vector<1x16xf32>
    %rsqrt3A = math.rsqrt %add3A_70 : vector<1x16xf32>
    %mul3A_71 = vector.broadcast %rsqrt3A : vector<1x16xf32> to vector<64x16xf32>
    %mul3A_72 = arith.mulf %sub3A_67, %mul3A_71 : vector<64x16xf32>
    %mul3A_73 = vector.broadcast %get3A_48 : vector<1x16xf32> to vector<64x16xf32>
    %mul3A_74 = arith.mulf %mul3A_72, %mul3A_73 : vector<64x16xf32>
    %add3A_75 = vector.broadcast %get3A_51 : vector<1x16xf32> to vector<64x16xf32>
    %add3A_76 = arith.addf %mul3A_74, %add3A_75 : vector<64x16xf32>
    %get3A_77 = arith.constant 0 : index
    %get3A_78 = arith.constant 0 : index
    %get3A_79 = vector.load %arg4[%get3A_77, %get3A_78] : memref<16x16xf32, #tpu.memory_space<vmem>>, vector<16x16xf32>
    %dot_general3A_80 = arith.constant dense<0.000000e+00> : vector<64x16xf32>
    %dot_general3A_81 = tpu.matmul %add3A_76, %get3A_79, %dot_general3A_80 {dimension_numbers = #tpu.dot_dimension_numbers<[1], [0], [0], [1], [0, 0, 1, 1], [], []>, transpose_lhs_hint = false} : vector<64x16xf32>, vector<16x16xf32>, vector<64x16xf32> -> vector<64x16xf32>
    %get3A_82 = arith.constant 0 : index
    %get3A_83 = arith.constant 0 : index
    %get3A_84 = vector.load %arg5[%get3A_82, %get3A_83] : memref<1x16xf32, #tpu.memory_space<vmem>>, vector<1x16xf32>
    %add3A_85 = vector.broadcast %get3A_84 : vector<1x16xf32> to vector<64x16xf32>
    %add3A_86 = arith.addf %dot_general3A_81, %add3A_85 : vector<64x16xf32>
    %max3A_87 = arith.constant 0.000000e+00 : f32
    %max3A_88 = vector.broadcast %max3A_87 : f32 to vector<64x16xf32>
    %max3A_89 = arith.maximumf %add3A_86, %max3A_88 : vector<64x16xf32>
    %concatenate3A_90 = tpu.concatenate %max3A_89, %div3A_45 in 1 : vector<64x16xf32>, vector<64x16xf32> -> vector<64x32xf32>
    %get3A_91 = arith.constant 0 : index
    %get3A_92 = arith.constant 0 : index
    %get3A_93 = vector.load %arg10[%get3A_91, %get3A_92] : memref<1x32xf32, #tpu.memory_space<vmem>>, vector<1x32xf32>
    %get3A_94 = arith.constant 0 : index
    %get3A_95 = arith.constant 0 : index
    %get3A_96 = vector.load %arg11[%get3A_94, %get3A_95] : memref<1x32xf32, #tpu.memory_space<vmem>>, vector<1x32xf32>
    %reduce_sum3A_97 = arith.constant dense<0.000000e+00> : vector<32xf32>
    %reduce_sum3A_98 = vector.multi_reduction <add>, %concatenate3A_90, %reduce_sum3A_97 [0] : vector<64x32xf32> to vector<32xf32>
    %broadcast_in_dim3A_99 = vector.shape_cast %reduce_sum3A_98 : vector<32xf32> to vector<1x32xf32>
    %div3A_100 = arith.constant 6.400000e+01 : f32
    %div3A_101 = vector.broadcast %div3A_100 : f32 to vector<1x32xf32>
    %div3A_102 = arith.divf %broadcast_in_dim3A_99, %div3A_101 : vector<1x32xf32>
    %sub3A_103 = vector.broadcast %div3A_102 : vector<1x32xf32> to vector<64x32xf32>
    %sub3A_104 = arith.subf %concatenate3A_90, %sub3A_103 : vector<64x32xf32>
    %sub3A_105 = vector.broadcast %div3A_102 : vector<1x32xf32> to vector<64x32xf32>
    %sub3A_106 = arith.subf %concatenate3A_90, %sub3A_105 : vector<64x32xf32>
    %mul3A_107 = arith.mulf %sub3A_104, %sub3A_106 : vector<64x32xf32>
    %reduce_sum3A_108 = arith.constant dense<0.000000e+00> : vector<32xf32>
    %reduce_sum3A_109 = vector.multi_reduction <add>, %mul3A_107, %reduce_sum3A_108 [0] : vector<64x32xf32> to vector<32xf32>
    %broadcast_in_dim3A_110 = vector.shape_cast %reduce_sum3A_109 : vector<32xf32> to vector<1x32xf32>
    %div3A_111 = arith.constant 6.400000e+01 : f32
    %div3A_112 = vector.broadcast %div3A_111 : f32 to vector<1x32xf32>
    %div3A_113 = arith.divf %broadcast_in_dim3A_110, %div3A_112 : vector<1x32xf32>
    %sub3A_114 = vector.broadcast %div3A_102 : vector<1x32xf32> to vector<64x32xf32>
    %sub3A_115 = arith.subf %concatenate3A_90, %sub3A_114 : vector<64x32xf32>
    %add3A_116 = arith.constant 9.99999974E-6 : f32
    %add3A_117 = vector.broadcast %add3A_116 : f32 to vector<1x32xf32>
    %add3A_118 = arith.addf %div3A_113, %add3A_117 : vector<1x32xf32>
    %rsqrt3A_119 = math.rsqrt %add3A_118 : vector<1x32xf32>
    %mul3A_120 = vector.broadcast %rsqrt3A_119 : vector<1x32xf32> to vector<64x32xf32>
    %mul3A_121 = arith.mulf %sub3A_115, %mul3A_120 : vector<64x32xf32>
    %mul3A_122 = vector.broadcast %get3A_93 : vector<1x32xf32> to vector<64x32xf32>
    %mul3A_123 = arith.mulf %mul3A_121, %mul3A_122 : vector<64x32xf32>
    %add3A_124 = vector.broadcast %get3A_96 : vector<1x32xf32> to vector<64x32xf32>
    %add3A_125 = arith.addf %mul3A_123, %add3A_124 : vector<64x32xf32>
    %get3A_126 = arith.constant 0 : index
    %get3A_127 = arith.constant 0 : index
    %get3A_128 = vector.load %arg8[%get3A_126, %get3A_127] : memref<32x16xf32, #tpu.memory_space<vmem>>, vector<32x16xf32>
    %dot_general3A_129 = arith.constant dense<0.000000e+00> : vector<64x16xf32>
    %dot_general3A_130 = tpu.matmul %add3A_125, %get3A_128, %dot_general3A_129 {dimension_numbers = #tpu.dot_dimension_numbers<[1], [0], [0], [1], [0, 0, 1, 1], [], []>, transpose_lhs_hint = false} : vector<64x32xf32>, vector<32x16xf32>, vector<64x16xf32> -> vector<64x16xf32>
    %get3A_131 = arith.constant 0 : index
    %get3A_132 = arith.constant 0 : index
    %get3A_133 = vector.load %arg9[%get3A_131, %get3A_132] : memref<1x16xf32, #tpu.memory_space<vmem>>, vector<1x16xf32>
    %add3A_134 = vector.broadcast %get3A_133 : vector<1x16xf32> to vector<64x16xf32>
    %add3A_135 = arith.addf %dot_general3A_130, %add3A_134 : vector<64x16xf32>
    %max3A_136 = arith.constant 0.000000e+00 : f32
    %max3A_137 = vector.broadcast %max3A_136 : f32 to vector<64x16xf32>
    %max3A_138 = arith.maximumf %add3A_135, %max3A_137 : vector<64x16xf32>
    %concatenate3A_139 = tpu.concatenate %max3A_138, %div3A_45 in 1 : vector<64x16xf32>, vector<64x16xf32> -> vector<64x32xf32>
    %get3A_140 = arith.constant 0 : index
    %get3A_141 = arith.constant 0 : index
    %get3A_142 = vector.load %arg14[%get3A_140, %get3A_141] : memref<1x32xf32, #tpu.memory_space<vmem>>, vector<1x32xf32>
    %get3A_143 = arith.constant 0 : index
    %get3A_144 = arith.constant 0 : index
    %get3A_145 = vector.load %arg15[%get3A_143, %get3A_144] : memref<1x32xf32, #tpu.memory_space<vmem>>, vector<1x32xf32>
    %reduce_sum3A_146 = arith.constant dense<0.000000e+00> : vector<32xf32>
    %reduce_sum3A_147 = vector.multi_reduction <add>, %concatenate3A_139, %reduce_sum3A_146 [0] : vector<64x32xf32> to vector<32xf32>
    %broadcast_in_dim3A_148 = vector.shape_cast %reduce_sum3A_147 : vector<32xf32> to vector<1x32xf32>
    %div3A_149 = arith.constant 6.400000e+01 : f32
    %div3A_150 = vector.broadcast %div3A_149 : f32 to vector<1x32xf32>
    %div3A_151 = arith.divf %broadcast_in_dim3A_148, %div3A_150 : vector<1x32xf32>
    %sub3A_152 = vector.broadcast %div3A_151 : vector<1x32xf32> to vector<64x32xf32>
    %sub3A_153 = arith.subf %concatenate3A_139, %sub3A_152 : vector<64x32xf32>
    %sub3A_154 = vector.broadcast %div3A_151 : vector<1x32xf32> to vector<64x32xf32>
    %sub3A_155 = arith.subf %concatenate3A_139, %sub3A_154 : vector<64x32xf32>
    %mul3A_156 = arith.mulf %sub3A_153, %sub3A_155 : vector<64x32xf32>
    %reduce_sum3A_157 = arith.constant dense<0.000000e+00> : vector<32xf32>
    %reduce_sum3A_158 = vector.multi_reduction <add>, %mul3A_156, %reduce_sum3A_157 [0] : vector<64x32xf32> to vector<32xf32>
    %broadcast_in_dim3A_159 = vector.shape_cast %reduce_sum3A_158 : vector<32xf32> to vector<1x32xf32>
    %div3A_160 = arith.constant 6.400000e+01 : f32
    %div3A_161 = vector.broadcast %div3A_160 : f32 to vector<1x32xf32>
    %div3A_162 = arith.divf %broadcast_in_dim3A_159, %div3A_161 : vector<1x32xf32>
    %sub3A_163 = vector.broadcast %div3A_151 : vector<1x32xf32> to vector<64x32xf32>
    %sub3A_164 = arith.subf %concatenate3A_139, %sub3A_163 : vector<64x32xf32>
    %add3A_165 = arith.constant 9.99999974E-6 : f32
    %add3A_166 = vector.broadcast %add3A_165 : f32 to vector<1x32xf32>
    %add3A_167 = arith.addf %div3A_162, %add3A_166 : vector<1x32xf32>
    %rsqrt3A_168 = math.rsqrt %add3A_167 : vector<1x32xf32>
    %mul3A_169 = vector.broadcast %rsqrt3A_168 : vector<1x32xf32> to vector<64x32xf32>
    %mul3A_170 = arith.mulf %sub3A_164, %mul3A_169 : vector<64x32xf32>
    %mul3A_171 = vector.broadcast %get3A_142 : vector<1x32xf32> to vector<64x32xf32>
    %mul3A_172 = arith.mulf %mul3A_170, %mul3A_171 : vector<64x32xf32>
    %add3A_173 = vector.broadcast %get3A_145 : vector<1x32xf32> to vector<64x32xf32>
    %add3A_174 = arith.addf %mul3A_172, %add3A_173 : vector<64x32xf32>
    %get3A_175 = arith.constant 0 : index
    %get3A_176 = arith.constant 0 : index
    %get3A_177 = vector.load %arg12[%get3A_175, %get3A_176] : memref<32x16xf32, #tpu.memory_space<vmem>>, vector<32x16xf32>
    %dot_general3A_178 = arith.constant dense<0.000000e+00> : vector<64x16xf32>
    %dot_general3A_179 = tpu.matmul %add3A_174, %get3A_177, %dot_general3A_178 {dimension_numbers = #tpu.dot_dimension_numbers<[1], [0], [0], [1], [0, 0, 1, 1], [], []>, transpose_lhs_hint = false} : vector<64x32xf32>, vector<32x16xf32>, vector<64x16xf32> -> vector<64x16xf32>
    %get3A_180 = arith.constant 0 : index
    %get3A_181 = arith.constant 0 : index
    %get3A_182 = vector.load %arg13[%get3A_180, %get3A_181] : memref<1x16xf32, #tpu.memory_space<vmem>>, vector<1x16xf32>
    %add3A_183 = vector.broadcast %get3A_182 : vector<1x16xf32> to vector<64x16xf32>
    %add3A_184 = arith.addf %dot_general3A_179, %add3A_183 : vector<64x16xf32>
    %max3A_185 = arith.constant 0.000000e+00 : f32
    %max3A_186 = vector.broadcast %max3A_185 : f32 to vector<64x16xf32>
    %max3A_187 = arith.maximumf %add3A_184, %max3A_186 : vector<64x16xf32>
    %get3A_188 = arith.constant 0 : index
    %get3A_189 = arith.constant 0 : index
    %get3A_190 = vector.load %arg16[%get3A_188, %get3A_189] : memref<16x16xf32, #tpu.memory_space<vmem>>, vector<16x16xf32>
    %dot_general3A_191 = arith.constant dense<0.000000e+00> : vector<64x16xf32>
    %dot_general3A_192 = tpu.matmul %max3A_187, %get3A_190, %dot_general3A_191 {dimension_numbers = #tpu.dot_dimension_numbers<[1], [0], [0], [1], [0, 0, 1, 1], [], []>, transpose_lhs_hint = false} : vector<64x16xf32>, vector<16x16xf32>, vector<64x16xf32> -> vector<64x16xf32>
    %get3A_193 = arith.constant 0 : index
    %get3A_194 = arith.constant 0 : index
    %get3A_195 = vector.load %arg17[%get3A_193, %get3A_194] : memref<1x16xf32, #tpu.memory_space<vmem>>, vector<1x16xf32>
    %add3A_196 = vector.broadcast %get3A_195 : vector<1x16xf32> to vector<64x16xf32>
    %add3A_197 = arith.addf %dot_general3A_192, %add3A_196 : vector<64x16xf32>
    %reduce_max3A = arith.constant dense<0xFF800000> : vector<64xf32>
    %reduce_max3A_198 = vector.multi_reduction <maximumf>, %add3A_197, %reduce_max3A [1] : vector<64x16xf32> to vector<64xf32>
    %broadcast_in_dim3A_199 = vector.shape_cast %reduce_max3A_198 : vector<64xf32> to vector<64x1xf32>
    %sub3A_200 = vector.broadcast %broadcast_in_dim3A_199 : vector<64x1xf32> to vector<64x16xf32>
    %sub3A_201 = arith.subf %add3A_197, %sub3A_200 : vector<64x16xf32>
    %exp3A = math.exp %sub3A_201 : vector<64x16xf32>
    %reduce_sum3A_202 = arith.constant dense<0.000000e+00> : vector<64xf32>
    %reduce_sum3A_203 = vector.multi_reduction <add>, %exp3A, %reduce_sum3A_202 [1] : vector<64x16xf32> to vector<64xf32>
    %broadcast_in_dim3A_204 = vector.shape_cast %reduce_sum3A_203 : vector<64xf32> to vector<64x1xf32>
    %div3A_205 = vector.broadcast %broadcast_in_dim3A_204 : vector<64x1xf32> to vector<64x16xf32>
    %div3A_206 = arith.divf %exp3A, %div3A_205 : vector<64x16xf32>
    %swap3A = arith.constant 0 : index
    %swap3A_207 = arith.constant 0 : index
    %swap3A_208 = vector.load %arg22[%swap3A, %swap3A_207] : memref<64x16xf32, #tpu.memory_space<vmem>>, vector<64x16xf32>
    tpu.vector_store %arg22[%swap3A, %swap3A_207], %div3A_206 {strides = array<i32>} : memref<64x16xf32, #tpu.memory_space<vmem>>, vector<64x16xf32>,
    %get3A_209 = arith.constant 0 : index
    %get3A_210 = arith.constant 0 : index
    %get3A_211 = vector.load %arg18[%get3A_209, %get3A_210] : memref<16x16xf32, #tpu.memory_space<vmem>>, vector<16x16xf32>
    %dot_general3A_212 = arith.constant dense<0.000000e+00> : vector<64x16xf32>
    %dot_general3A_213 = tpu.matmul %max3A_187, %get3A_211, %dot_general3A_212 {dimension_numbers = #tpu.dot_dimension_numbers<[1], [0], [0], [1], [0, 0, 1, 1], [], []>, transpose_lhs_hint = false} : vector<64x16xf32>, vector<16x16xf32>, vector<64x16xf32> -> vector<64x16xf32>
    %get3A_214 = arith.constant 0 : index
    %get3A_215 = arith.constant 0 : index
    %get3A_216 = vector.load %arg19[%get3A_214, %get3A_215] : memref<1x16xf32, #tpu.memory_space<vmem>>, vector<1x16xf32>
    %add3A_217 = vector.broadcast %get3A_216 : vector<1x16xf32> to vector<64x16xf32>
    %add3A_218 = arith.addf %dot_general3A_213, %add3A_217 : vector<64x16xf32>
    %reduce_max3A_219 = arith.constant dense<0xFF800000> : vector<64xf32>
    %reduce_max3A_220 = vector.multi_reduction <maximumf>, %add3A_218, %reduce_max3A_219 [1] : vector<64x16xf32> to vector<64xf32>
    %broadcast_in_dim3A_221 = vector.shape_cast %reduce_max3A_220 : vector<64xf32> to vector<64x1xf32>
    %sub3A_222 = vector.broadcast %broadcast_in_dim3A_221 : vector<64x1xf32> to vector<64x16xf32>
    %sub3A_223 = arith.subf %add3A_218, %sub3A_222 : vector<64x16xf32>
    %exp3A_224 = math.exp %sub3A_223 : vector<64x16xf32>
    %reduce_sum3A_225 = arith.constant dense<0.000000e+00> : vector<64xf32>
    %reduce_sum3A_226 = vector.multi_reduction <add>, %exp3A_224, %reduce_sum3A_225 [1] : vector<64x16xf32> to vector<64xf32>
    %broadcast_in_dim3A_227 = vector.shape_cast %reduce_sum3A_226 : vector<64xf32> to vector<64x1xf32>
    %div3A_228 = vector.broadcast %broadcast_in_dim3A_227 : vector<64x1xf32> to vector<64x16xf32>
    %div3A_229 = arith.divf %exp3A_224, %div3A_228 : vector<64x16xf32>
    %swap3A_230 = arith.constant 0 : index
    %swap3A_231 = arith.constant 0 : index
    %swap3A_232 = vector.load %arg23[%swap3A_230, %swap3A_231] : memref<64x16xf32, #tpu.memory_space<vmem>>, vector<64x16xf32>
    tpu.vector_store %arg23[%swap3A_230, %swap3A_231], %div3A_229 {strides = array<i32>} : memref<64x16xf32, #tpu.memory_space<vmem>>, vector<64x16xf32>,
    %get3A_233 = arith.constant 0 : index
    %get3A_234 = arith.constant 0 : index
    %get3A_235 = vector.load %arg20[%get3A_233, %get3A_234] : memref<16x4xf32, #tpu.memory_space<vmem>>, vector<16x4xf32>
    %dot_general3A_236 = arith.constant dense<0.000000e+00> : vector<64x4xf32>
    %dot_general3A_237 = tpu.matmul %max3A_187, %get3A_235, %dot_general3A_236 {dimension_numbers = #tpu.dot_dimension_numbers<[1], [0], [0], [1], [0, 0, 1, 1], [], []>, transpose_lhs_hint = false} : vector<64x16xf32>, vector<16x4xf32>, vector<64x4xf32> -> vector<64x4xf32>
    %get3A_238 = arith.constant 0 : index
    %get3A_239 = arith.constant 0 : index
    %get3A_240 = vector.load %arg21[%get3A_238, %get3A_239] : memref<1x4xf32, #tpu.memory_space<vmem>>, vector<1x4xf32>
    %add3A_241 = vector.broadcast %get3A_240 : vector<1x4xf32> to vector<64x4xf32>
    %add3A_242 = arith.addf %dot_general3A_237, %add3A_241 : vector<64x4xf32>
    %reduce_max3A_243 = arith.constant dense<0xFF800000> : vector<64xf32>
    %reduce_max3A_244 = vector.multi_reduction <maximumf>, %add3A_242, %reduce_max3A_243 [1] : vector<64x4xf32> to vector<64xf32>
    %broadcast_in_dim3A_245 = vector.shape_cast %reduce_max3A_244 : vector<64xf32> to vector<64x1xf32>
    %sub3A_246 = vector.broadcast %broadcast_in_dim3A_245 : vector<64x1xf32> to vector<64x4xf32>
    %sub3A_247 = arith.subf %add3A_242, %sub3A_246 : vector<64x4xf32>
    %exp3A_248 = math.exp %sub3A_247 : vector<64x4xf32>
    %reduce_sum3A_249 = arith.constant dense<0.000000e+00> : vector<64xf32>
    %reduce_sum3A_250 = vector.multi_reduction <add>, %exp3A_248, %reduce_sum3A_249 [1] : vector<64x4xf32> to vector<64xf32>
    %broadcast_in_dim3A_251 = vector.shape_cast %reduce_sum3A_250 : vector<64xf32> to vector<64x1xf32>
    %div3A_252 = vector.broadcast %broadcast_in_dim3A_251 : vector<64x1xf32> to vector<64x4xf32>
    %div3A_253 = arith.divf %exp3A_248, %div3A_252 : vector<64x4xf32>
    %swap3A_254 = arith.constant 0 : index
    %swap3A_255 = arith.constant 0 : index
    %swap3A_256 = vector.load %arg24[%swap3A_254, %swap3A_255] : memref<64x4xf32, #tpu.memory_space<vmem>>, vector<64x4xf32>
    tpu.vector_store %arg24[%swap3A_254, %swap3A_255], %div3A_253 {strides = array<i32>} : memref<64x4xf32, #tpu.memory_space<vmem>>, vector<64x4xf32>,
    return
  }
}

</mosaic_0001>

<sc_bundles>
// kernel: kernel.10.cloned.1.call-start
scs
__scs_entry_jumppad:
0x0: {  	(pc) =	sbr.rel $0x88, $3  }
0x1: {  	(tag) =	ssettag $0x0;
	lr =	simm.s32 $0x1  }
0x2: {  	[smem:$0x3F84] =	sst lr;
	_ =	strace $0xD0000000  }
0x3: {  	_ = 	snop  }
0x4: {  	_ = 	snop  }
0x5: {  	_ = 	snop  }
0x6: {  	_ = 	snop  }
0x7: {  	_ = 	snop  }
__scs_overlays_trampoline_lowered:
0x8: {  	[smem:$0x3F93] =	sst s0  }
0x9: {  	[smem:$0x3F94] =	sst s1  }
0xa: {  	[smem:$0x3F95] =	sst s2  }
0xb: {  	[smem:$0x3F96] =	sst s3  }
0xc: {  	[smem:$0x3F97] =	sst s4  }
0xd: {  	[smem:$0x3F98] =	sst s5  }
0xe: {  	[smem:$0x3F99] =	sst s6  }
0xf: {  	[smem:$0x3F9A] =	sst s7  }
0x10: {  	[smem:$0x3F9B] =	sst s8  }
0x11: {  	[smem:$0x3F9C] =	sst s9;
	s0 =	simm.s32 @!p0 $0x0  }
0x12: {  	s1 =	sld [smem:$0x3F82];
	s0 =	simm.s32 @p0 $0x1  }
0x13: {  	[smem:$0x3F9D] =	sst s0;
	s0 =	simm.s32 @!p1 $0x0  }
0x14: {  	s2 =	sld [smem:$0x3F81];
	s0 =	simm.s32 @p1 $0x1  }
0x15: {  	[smem:$0x3F9E] =	sst s0;
	s0 =	simm.s32 @!p2 $0x0  }
0x16: {  	s3 =	sld [smem:$0x3FDB];
	s0 =	simm.s32 @p2 $0x1  }
0x17: {  	s4 =	simm.s32 $0x1BF5;
	[smem:$0x3FA0] =	sst s0  }
0x18: {  	s0 =	sld [smem:$0x3F83];
	_ =	swait.ge [sflag:s4], $0x0  }
0x19: {  	s7 =	sld [smem:$0x3F84]  }
0x1a: {  	s8 =	sadd.s32 $0xFFFFE003, lr  }
0x1b: {  	s9 =	sadd.s32 $0xFFFFFEF7, lr;
	s5 =	simm.s32 $0xFFFFFFFF;
	p2 =	slt.u32 s8, $0xFFFFF086  }
0x1c: {  	p1 =	slt.u32 s9, $0xF7A;
	s5 =	simm.s32 @!p2 $0x0  }
0x1d: {  	s5 =	simm.s32 @p1 $0x1;
	p0 =	seq.s32 s7, s2  }
0x1e: {  	s7 =	smul.u32 @!p0 $0xF7A, s2;
	p2 =	seq.s32 @!p0 s5, $0x0  }
0x1f: {  	s9 =	smul.u32 $0xF7A, s1;
	s8 =	simm.s32 @!p0 $0x1BF5;
	p2 =	por !p2, p0  }
0x20: {  	[sflag:s8] =	ssyncset.s32 @!p0 $0xFFFFF086;
	s6 =	sadd.s32 @!p0 s3, s7;
	s7 =	simm.s32 @!p0 $0x108  }
0x21: {  	s3 =	sadd.s32 s3, s9;
	s6 =	sadd.s32 @!p0 $0x88, s6;
	s7 =	simm.s32 @p2 $0x1082  }
0x22: {  	[simem:s7], [sflag:s8] =	dma.local @!p0 [hbm:s6], $0xF7A  }
0x23: {  	s9 =	sor.u32 $0xD0000000, s2;
	s6 =	simm.s32 $0x108;
	_ =	swait.ge @!p0 [sflag:s8], $0x0  }
0x24: {  	s3 =	sadd.s32 $0x88, s3;
	s6 =	simm.s32 @!p1 $0x1082;
	[sflag:s4] =	ssyncset.s32 $0xFFFFF086  }
0x25: {  	[simem:s6], [sflag:s4] =	dma.local [hbm:s3], $0xF7A  }
0x26: {  	[smem:$0x3F84] =	sst s1;
	(tag) =	ssettag s2;
	_ =	strace s9  }
0x27: {  	s1 =	sld [smem:$0x3F94]  }
0x28: {  	s2 =	sld [smem:$0x3F95]  }
0x29: {  	s4 =	sld [smem:$0x3F97]  }
0x2a: {  	p0 =	seq.s32 s5, $0x0;
	s5 =	sld [smem:$0x3F98]  }
0x2b: {  	s6 =	sld [smem:$0x3F99]  }
0x2c: {  	s7 =	sld [smem:$0x3F9A]  }
0x2d: {  	s3 =	simm.s32 $0x108;
	s8 =	sld [smem:$0x3F9B]  }
0x2e: {  	s3 =	simm.s32 @!p0 $0x1082;
	s9 =	sld [smem:$0x3F9C]  }
0x2f: {  	lr =	sadd.s32 s0, s3;
	s0 =	sld [smem:$0x3F93]  }
0x30: {  	s3 =	sld [smem:$0x3F96]  }
0x31: {  	[smem:$0x3F9F] =	sst s10  }
0x32: {  	s10 =	sld [smem:$0x3F9D];
	_ =	sdelay $0x3  }
0x33: {  	p0 =	seq.s32 s10, $0x1;
	s10 =	sld [smem:$0x3F9F];
	_ =	sdelay $0x3  }
0x34: {  	[smem:$0x3F9F] =	sst s10  }
0x35: {  	s10 =	sld [smem:$0x3F9E];
	_ =	sdelay $0x3  }
0x36: {  	p1 =	seq.s32 s10, $0x1;
	s10 =	sld [smem:$0x3F9F];
	_ =	sdelay $0x3  }
0x37: {  	[smem:$0x3F9F] =	sst s10  }
0x38: {  	s10 =	sld [smem:$0x3FA0]  }
0x39: {  	_ = 	snop;
	(pc) =	sbr.ind lr, $3  }
0x3a: {  	_ = 	snop  }
0x3b: {  	_ = 	snop  }
0x3c: {  	p2 =	seq.s32 s10, $0x1;
	s10 =	sld [smem:$0x3F9F]  }
0x3d: {  	_ =	shalt  }
0x3e: {  	_ =	shalt  }
0x3f: {  	_ =	shalt  }
0x40: {  	_ =	shalt  }
0x41: {  	_ =	shalt  }
0x42: {  	_ =	shalt  }
0x43: {  	_ =	shalt  }
0x44: {  	_ =	shalt  }
0x45: {  	_ =	shalt  }
0x46: {  	_ =	shalt  }
0x47: {  	_ =	shalt  }
0x48: {  	_ =	shalt  }
0x49: {  	_ =	shalt  }
0x4a: {  	_ =	shalt  }
0x4b: {  	_ =	shalt  }
0x4c: {  	_ =	shalt  }
0x4d: {  	_ =	shalt  }
0x4e: {  	_ =	shalt  }
0x4f: {  	_ =	shalt  }
0x50: {  	_ =	shalt  }
0x51: {  	_ =	shalt  }
0x52: {  	_ =	shalt  }
0x53: {  	_ =	shalt  }
0x54: {  	_ =	shalt  }
0x55: {  	_ =	shalt  }
0x56: {  	_ =	shalt  }
0x57: {  	_ =	shalt  }
0x58: {  	_ =	shalt  }
0x59: {  	_ =	shalt  }
0x5a: {  	_ =	shalt  }
0x5b: {  	_ =	shalt  }
0x5c: {  	_ =	shalt  }
0x5d: {  	_ =	shalt  }
0x5e: {  	_ =	shalt  }
0x5f: {  	_ =	shalt  }
0x60: {  	_ =	shalt  }
0x61: {  	_ =	shalt  }
0x62: {  	_ =	shalt  }
0x63: {  	_ =	shalt  }
0x64: {  	_ =	shalt  }
0x65: {  	_ =	shalt  }
0x66: {  	_ =	shalt  }
0x67: {  	_ =	shalt  }
0x68: {  	_ =	shalt  }
0x69: {  	_ =	shalt  }
0x6a: {  	_ =	shalt  }
0x6b: {  	_ =	shalt  }
0x6c: {  	_ =	shalt  }
0x6d: {  	_ =	shalt  }
0x6e: {  	_ =	shalt  }
0x6f: {  	_ =	shalt  }
0x70: {  	_ =	shalt  }
0x71: {  	_ =	shalt  }
0x72: {  	_ =	shalt  }
0x73: {  	_ =	shalt  }
0x74: {  	_ =	shalt  }
0x75: {  	_ =	shalt  }
0x76: {  	_ =	shalt  }
0x77: {  	_ =	shalt  }
0x78: {  	_ =	shalt  }
0x79: {  	_ =	shalt  }
0x7a: {  	_ =	shalt  }
0x7b: {  	_ =	shalt  }
0x7c: {  	_ =	shalt  }
0x7d: {  	_ =	shalt  }
0x7e: {  	_ =	shalt  }
0x7f: {  	_ =	shalt  }
0x80: {  	_ =	shalt  }
0x81: {  	_ =	shalt  }
0x82: {  	_ =	shalt  }
0x83: {  	_ =	shalt  }
0x84: {  	_ =	shalt  }
0x85: {  	_ =	shalt  }
0x86: {  	_ =	shalt  }
0x87: {  	_ =	shalt  }
.Lfunc_end0:
.L_simem_size_0:
called_computation.1_lowered:
.L_overlay_start_0:
0x88: {  	s2 =	sld [smem:$0x3FD9]  }
0x89: {  	s3 =	sld [smem:$0x3FFE];
	_ =	sdelay $0x1  }
0x8a: {  	s1 =	srdreg.scid  }
0x8b: {  	s0 =	sand.u32 $0x1, s1  }
0x8c: {  	s16 =	sshll.u32 s0, $0xA;
	s2 =	sadd.s32 s3, s2  }
0x8d: {  	s2 =	sadd.s32 s2, s16  }
0x8e: {  	[smem:$0x3FAB] =	sst s2  }
0x8f: {  	_ = 	snop  }
0x90: {  	(tm) =	ssettm $0x1  }
0x91: {  	s17 =	sld [smem:$0x3FFB];
	_ =	sdelay $0x3  }
0x92: {  	_ =	strace s17  }
0x93: {  	s2 =	sld [smem:$0x3FFC];
	_ =	sdelay $0x3  }
0x94: {  	_ =	strace s2  }
0x95: {  	s2 =	sld [smem:$0x3FFD];
	_ =	sdelay $0x3  }
0x96: {  	_ =	strace s2  }
0x97: {  	_ =	strace $0x8FFFFFFF  }
0x98: {  	s18 =	sld [smem:$0x3FDB];
	_ =	sdelay $0x1  }
0x99: {  	s19 =	simm.s32 $_scs_section_size  }
0x9a: {  	s4 =	simm.s32 $_size__tile_overlayer_lowered;
	s5 =	simm.s32 $_tile_overlayer_lowered  }
0x9b: {  	s22 =	simm.s32 $0x1BFF;
	s21 =	sshll.u32 s5, $0x1;
	s2 =	sadd.s32 s19, s18  }
0x9c: {  	s6 =	simm.s32 $0x0;
	s20 =	sshll.u32 s4, $0x1;
	s4 =	sadd.s32 s21, s2  }
0x9d: {  	[timem:s6], [sflag:s22] =	dma.local [hbm:s4], s20  }
0x9e: {  	_ =	swait.ge [sflag:s22], s20  }
0x9f: {  	s3 =	ssub.s32 $0x0, s20;
	[sflag:s22] =	ssyncset.done $0x0  }
0xa0: {  	[sflag:s22] =	ssyncadd.s32 s3;
	_ =	sdelay $0x1  }
0xa1: {  	s23 =	simm.s32 $0x1B8B  }
0xa2: {  	_ =	swait.ge [sflag:s23], $0x1  }
0xa3: {  	[sflag:s23] =	ssyncset.done $0x0  }
0xa4: {  	s25 =	simm.s32 $0x1B8E;
	s24 =	sld [smem:$0x3FFE];
	[sflag:s23] =	ssyncadd.s32 $0xFFFFFFFF  }
0xa5: {  	s26 =	simm.s32 $execute0_lowered;
	[smem:$0x3FD2] =	sst s25  }
0xa6: {  	s4 =	sshll.u32 s26, $0x1;
	_ =	strace $0x80000049;
	[dreg:$0x1] =	wrdreg $0xFFFFFFFF  }
0xa7: {  	s28 =	simm.s32 $_size_execute0_lowered;
	s2 =	sadd.s32 s2, s4;
	[dreg:$0x0] =	wrdreg $0x0  }
0xa8: {  	s4 =	sshll.u32 s28, $0x1;
	[dreg:$0x2] =	wrdreg s2  }
0xa9: {  	[dreg:$0x3] =	wrdreg s4  }
0xaa: {  	[dreg:$0x4] =	wrdreg $0xC0  }
0xab: {  	_ =	task [dreg:s6], $0x5FFFF  }
0xac: {  	[dreg:$0x1] =	wrdreg $0xFFFFFFFF  }
0xad: {  	[dreg:$0x0] =	wrdreg $0x60  }
0xae: {  	[dreg:$0x2] =	wrdreg s24  }
0xaf: {  	[dreg:$0x3] =	wrdreg $0x74000  }
0xb0: {  	[dreg:$0x4] =	wrdreg $0x9  }
0xb1: {  	_ =	task.clear_ibuf [dreg:s6], $0x5FFFF;
	_ =	strace $0x90000049  }
0xb2: {  	s29 =	simm.s32 $0x9;
	_ =	strace $0x8000004B  }
0xb3: {  	_ =	swait.ge [sflag:s29], $0x1  }
0xb4: {  	[sflag:s29] =	ssyncadd.s32 $0xFFFFFFFF  }
0xb5: {  	_ =	strace $0x9000004B  }
0xb6: {  	_ =	sfence  }
0xb7: {  	s30 =	sld [smem:$0x0];
	_ =	sdelay $0x2  }
0xb8: {  	s31 =	sshll.u32 s1, $0xD;
	s1 =	sshrl.u32 s1, $0x2  }
0xb9: {  	s3 =	sand.u32 $0x4000, s31;
	s1 =	sadd.s32 s1, s30  }
0xba: {  	s0 =	sor.u32 s3, s0;
	s1 =	sshll.u32 s1, $0x11  }
0xbb: {  	s0 =	sor.u32 s1, s0  }
0xbc: {  	s0 =	sadd.s32 $0x8F2B, s0  }
0xbd: {  	[sflag:s0] =	ssyncadd.remote.s32 $0x1  }
0xbe: {  	_ =	sfence.sel $0xFFFF  }
0xbf: {  	[dreg:$0x0] =	wrdreg $0xFFFFFFFF;
	(pc) =	sbr.abs _section_cstart, $3  }
0xc0: {  	[dreg:$0x1] =	wrdreg $0xFFFFFFFF  }
0xc1: {  	_ =	task.clear_ibuf [dreg:s6], $0x2FFFF;
	_ =	strace $0x9FFFFFFF  }
0xc2: {  	(tm) =	ssettm $0x7FFFFFFF  }
0xc3: {  	_ =	shalt  }
tec
execute0_lowered:
.L_overlay_start_1:
0x0: {  	(tag) =	ssettag $0x1  }
0x1: {  	s1 =	srdreg.scid  }
0x2: {  	s0 =	stileid.u32;
	s6 =	rddreg [dreg:$0x0]  }
0x3: {  	s2 =	rddreg [dreg:$0x1];
	s3 =	simm.s32 $0x0;
	s14 =	simm.s32 $0x80  }
0x4: {  	s15 =	simm.s32 $0x5400;
	s16 =	simm.s32 $0x5C00;
	s17 =	simm.s32 $0x100  }
0x5: {  	s18 =	simm.s32 $0x6400;
	s19 =	simm.s32 $0x180;
	s20 =	simm.s32 $0x6C00  }
0x6: {  	s21 =	simm.s32 $0x1;
	s22 =	simm.s32 $0x2;
	s23 =	simm.s32 $0x3  }
0x7: {  	s24 =	simm.s32 $0x4;
	s25 =	simm.s32 $0x0;
	s5 =	sand.u32 $0x1, s1  }
0x8: {  	s28 =	sshll.u32 s0, $0x1;
	s8 =	smul.u32 $0x2800, s0;
	[smem:$0x7FF] =	sst s3  }
0x9: {  	s4 =	sadd.s32 $0x19A00, s6;
	s31 =	sshll.u32 s0, $0x6;
	s1 =	sor.u32 s5, s28  }
0xa: {  	s9 =	smul.u32 $0x28000, s5;
	s30 =	ssub.s32 $0x2, s5;
	s5 =	sadd.s32 $0x1EA00, s6  }
0xb: {  	s7 =	smul.u32 $0x540, s1;
	s1 =	rddreg [dreg:$0x2];
	_ =	strace $0x8000004A  }
0xc: {  	s11 =	sshrl.u32 s30, $0x1;
	s13 =	sadd.s32 s8, s2;
	s29 =	sadd.s32 s8, s9  }
0xd: {  	s11 =	ssub.s32 s30, s11;
	s10 =	sadd.s32 s7, s6;
	s7 =	sshrl.u32 s29, $0x3  }
0xe: {  	s12 =	sadd.s32 s7, s6;
	s6 =	sor.u32 $0x1C05, s31;
	s7 =	sadd.s32 $0xF200, s10  }
0xf: {  	s8 =	sadd.s32 $0x4A00, s10;
	s10 =	smax.u32 s11, $0x1;
	s11 =	sshrl.u32 s13, $0x3  }
0x10: {  	s13 =	simm.s32 $0x2A00;
	s9 =	sadd.s32 $0x1F000, s12;
	s12 =	simm.s32 $0x5  }
.LBB2_1:
0x11: {  	[spmem:s11], [sflag:s6] =	dma.local [hbm:s5], $0x500  }
0x12: {  	_ =	swait.ge [sflag:s12], $0x500  }
0x13: {  	[sflag:s12] =	ssyncset.done $0x0  }
0x14: {  	[sflag:s12] =	ssyncadd.s32 $0xFFFFFB00  }
0x15: {  	[tilespmem:s3], [sflag:$0x5] =	stream.linear.gather [hbm4b:s7+s3], $0x2A00, $0x38;
	[tilespmem:$0x9C00] =	vst v63  }
0x16: {  	_ =	swait.ge [sflag:s12], $0x2A00  }
0x17: {  	[sflag:s12] =	ssyncset.done $0x0  }
0x18: {  	[sflag:s12] =	ssyncadd.s32 $0xFFFFD600  }
0x19: {  	[tilespmem:s13], [sflag:$0x5] =	stream.linear.gather [hbm4b:s8+s3], $0x2A00, $0x38;
	[tilespmem:$0x9C00] =	vst v63  }
0x1a: {  	_ =	swait.ge [sflag:s12], $0x2A00  }
0x1b: {  	[sflag:s12] =	ssyncset.done $0x0  }
0x1c: {  	[sflag:s12] =	ssyncadd.s32 $0xFFFFD600  }
0x1d: {  	[bflag:$0x0] =	sbarrier.arrive $0xFFFF  }
0x1e: {  	[tilespmem:s15], [sflag:$0x1] =	stream.indirect.gather [hbm4b:s4+s14], $0x10, s3, s14, $0xb8;
	[tilespmem:$0x9C00] =	vst v63  }
0x1f: {  	_ = 	snop  }
0x20: {  	[tilespmem:s16], [sflag:$0x2] =	stream.indirect.gather [hbm4b:s4+s14], $0x10, s14, s14, $0xb8;
	[tilespmem:$0x9C00] =	vst v63  }
0x21: {  	_ = 	snop  }
0x22: {  	[tilespmem:s18], [sflag:$0x3] =	stream.indirect.gather [hbm4b:s4+s14], $0x10, s17, s14, $0xb8;
	[tilespmem:$0x9C00] =	vst v63  }
0x23: {  	_ = 	snop  }
0x24: {  	[tilespmem:s20], [sflag:$0x4] =	stream.indirect.gather [hbm4b:s4+s14], $0x10, s19, s14, $0xb8;
	[tilespmem:$0x9C00] =	vst v63  }
0x25: {  	_ =	swait.ge [sflag:s21], $0x800  }
0x26: {  	[sflag:s21] =	ssyncset.done $0x0  }
0x27: {  	s26 =	simm.s32 $0x2A00;
	[sflag:s21] =	ssyncadd.s32 $0xFFFFF800  }
0x28: {  	[spmem:s2] =	stream.indirect.scatter.add.f32 [tilespmem:s15], [sflag:$0x5], $0x10, s26, s14, $0xb8;
	[tilespmem:$0x9C00] =	vst v63  }
0x29: {  	_ =	swait.ge [sflag:s12], $0x800  }
0x2a: {  	[sflag:s12] =	ssyncset.done $0x0  }
0x2b: {  	s29 =	simm.s32 $0x200;
	[sflag:s12] =	ssyncadd.s32 $0xFFFFF800  }
0x2c: {  	[tilespmem:s15], [sflag:$0x1] =	stream.indirect.gather [hbm4b:s4+s14], $0x10, s29, s14, $0xb8;
	[tilespmem:$0x9C00] =	vst v63  }
0x2d: {  	_ =	swait.ge [sflag:s22], $0x800  }
0x2e: {  	[sflag:s22] =	ssyncset.done $0x0  }
0x2f: {  	s30 =	simm.s32 $0x2A80;
	[sflag:s22] =	ssyncadd.s32 $0xFFFFF800  }
0x30: {  	[spmem:s2] =	stream.indirect.scatter.add.f32 [tilespmem:s16], [sflag:$0x5], $0x10, s30, s14, $0xb8;
	[tilespmem:$0x9C00] =	vst v63  }
0x31: {  	_ =	swait.ge [sflag:s12], $0x800  }
0x32: {  	[sflag:s12] =	ssyncset.done $0x0  }
0x33: {  	s31 =	simm.s32 $0x280;
	[sflag:s12] =	ssyncadd.s32 $0xFFFFF800  }
0x34: {  	[tilespmem:s16], [sflag:$0x2] =	stream.indirect.gather [hbm4b:s4+s14], $0x10, s31, s14, $0xb8;
	[tilespmem:$0x9C00] =	vst v63  }
0x35: {  	_ =	swait.ge [sflag:s23], $0x800  }
0x36: {  	[sflag:s23] =	ssyncset.done $0x0  }
0x37: {  	s29 =	simm.s32 $0x2B00;
	[sflag:s23] =	ssyncadd.s32 $0xFFFFF800  }
0x38: {  	[spmem:s2] =	stream.indirect.scatter.add.f32 [tilespmem:s18], [sflag:$0x5], $0x10, s29, s14, $0xb8;
	[tilespmem:$0x9C00] =	vst v63  }
0x39: {  	_ =	swait.ge [sflag:s12], $0x800  }
0x3a: {  	[sflag:s12] =	ssyncset.done $0x0  }
0x3b: {  	s30 =	simm.s32 $0x300;
	[sflag:s12] =	ssyncadd.s32 $0xFFFFF800  }
0x3c: {  	[tilespmem:s18], [sflag:$0x3] =	stream.indirect.gather [hbm4b:s4+s14], $0x10, s30, s14, $0xb8;
	[tilespmem:$0x9C00] =	vst v63  }
0x3d: {  	_ =	swait.ge [sflag:s24], $0x800  }
0x3e: {  	[sflag:s24] =	ssyncset.done $0x0  }
0x3f: {  	s31 =	simm.s32 $0x2B80;
	[sflag:s24] =	ssyncadd.s32 $0xFFFFF800  }
0x40: {  	[spmem:s2] =	stream.indirect.scatter.add.f32 [tilespmem:s20], [sflag:$0x5], $0x10, s31, s14, $0xb8;
	[tilespmem:$0x9C00] =	vst v63  }
0x41: {  	_ =	swait.ge [sflag:s12], $0x800  }
0x42: {  	[sflag:s12] =	ssyncset.done $0x0  }
0x43: {  	s28 =	simm.s32 $0x380;
	s26 =	simm.s32 $0x800;
	[sflag:s12] =	ssyncadd.s32 $0xFFFFF800  }
.LBB2_2:
0x44: {  	[tilespmem:s20], [sflag:$0x4] =	stream.indirect.gather [hbm4b:s4+s14], $0x10, s28, s14, $0xb8;
	[tilespmem:$0x9C00] =	vst v63  }
0x45: {  	s28 =	smov.u32 s26  }
0x46: {  	p0 =	sne.s32 s26, $0x9800;
	s26 =	sadd.s32 $0x800, s26;
	_ =	swait.ge [sflag:s21], $0x800  }
0x47: {  	s28 =	sshra.s32 s28, $0x2;
	[sflag:s21] =	ssyncset.done $0x0  }
0x48: {  	s29 =	sadd.s32 $0x2A00, s28;
	[sflag:s21] =	ssyncadd.s32 $0xFFFFF800  }
0x49: {  	[spmem:s2] =	stream.indirect.scatter.add.f32 [tilespmem:s15], [sflag:$0x5], $0x10, s29, s14, $0xb8;
	[tilespmem:$0x9C00] =	vst v63  }
0x4a: {  	_ =	swait.ge [sflag:s12], $0x800  }
0x4b: {  	[sflag:s12] =	ssyncset.done $0x0  }
0x4c: {  	s29 =	sadd.s32 $0x200, s28;
	[sflag:s12] =	ssyncadd.s32 $0xFFFFF800  }
0x4d: {  	[tilespmem:s15], [sflag:$0x1] =	stream.indirect.gather [hbm4b:s4+s14], $0x10, s29, s14, $0xb8;
	[tilespmem:$0x9C00] =	vst v63  }
0x4e: {  	_ =	swait.ge [sflag:s22], $0x800  }
0x4f: {  	[sflag:s22] =	ssyncset.done $0x0  }
0x50: {  	s29 =	sadd.s32 $0x2A80, s28;
	[sflag:s22] =	ssyncadd.s32 $0xFFFFF800  }
0x51: {  	[spmem:s2] =	stream.indirect.scatter.add.f32 [tilespmem:s16], [sflag:$0x5], $0x10, s29, s14, $0xb8;
	[tilespmem:$0x9C00] =	vst v63  }
0x52: {  	_ =	swait.ge [sflag:s12], $0x800  }
0x53: {  	[sflag:s12] =	ssyncset.done $0x0  }
0x54: {  	s29 =	sadd.s32 $0x280, s28;
	[sflag:s12] =	ssyncadd.s32 $0xFFFFF800  }
0x55: {  	[tilespmem:s16], [sflag:$0x2] =	stream.indirect.gather [hbm4b:s4+s14], $0x10, s29, s14, $0xb8;
	[tilespmem:$0x9C00] =	vst v63  }
0x56: {  	_ =	swait.ge [sflag:s23], $0x800  }
0x57: {  	[sflag:s23] =	ssyncset.done $0x0  }
0x58: {  	s29 =	sadd.s32 $0x2B00, s28;
	[sflag:s23] =	ssyncadd.s32 $0xFFFFF800  }
0x59: {  	[spmem:s2] =	stream.indirect.scatter.add.f32 [tilespmem:s18], [sflag:$0x5], $0x10, s29, s14, $0xb8;
	[tilespmem:$0x9C00] =	vst v63  }
0x5a: {  	_ =	swait.ge [sflag:s12], $0x800  }
0x5b: {  	[sflag:s12] =	ssyncset.done $0x0  }
0x5c: {  	s29 =	sadd.s32 $0x300, s28;
	[sflag:s12] =	ssyncadd.s32 $0xFFFFF800  }
0x5d: {  	[tilespmem:s18], [sflag:$0x3] =	stream.indirect.gather [hbm4b:s4+s14], $0x10, s29, s14, $0xb8;
	[tilespmem:$0x9C00] =	vst v63  }
0x5e: {  	_ =	swait.ge [sflag:s24], $0x800  }
0x5f: {  	[sflag:s24] =	ssyncset.done $0x0  }
.Ltmp0:
0x60: {  	s29 =	sadd.s32 $0x2B80, s28;
	[sflag:s24] =	ssyncadd.s32 $0xFFFFF800;
	(pc) =	sbr.rel @p0 .LBB2_2-.Ltmp0, $4  }
0x61: {  	[spmem:s2] =	stream.indirect.scatter.add.f32 [tilespmem:s20], [sflag:$0x5], $0x10, s29, s14, $0xb8;
	[tilespmem:$0x9C00] =	vst v63  }
0x62: {  	_ =	swait.ge [sflag:s12], $0x800  }
0x63: {  	[sflag:s12] =	ssyncset.done $0x0  }
0x64: {  	s28 =	sadd.s32 $0x380, s28;
	[sflag:s12] =	ssyncadd.s32 $0xFFFFF800  }
0x65: {  	[tilespmem:s20], [sflag:$0x4] =	stream.indirect.gather [hbm4b:s4+s14], $0x10, s28, s14, $0xb8;
	[tilespmem:$0x9C00] =	vst v63  }
0x66: {  	_ =	swait.ge [sflag:s21], $0x800  }
0x67: {  	[sflag:s21] =	ssyncset.done $0x0  }
0x68: {  	[sflag:s21] =	ssyncadd.s32 $0xFFFFF800  }
0x69: {  	_ =	swait.ge [sflag:s22], $0x800  }
0x6a: {  	[sflag:s22] =	ssyncset.done $0x0  }
0x6b: {  	[sflag:s22] =	ssyncadd.s32 $0xFFFFF800  }
0x6c: {  	_ =	swait.ge [sflag:s23], $0x800  }
0x6d: {  	[sflag:s23] =	ssyncset.done $0x0  }
0x6e: {  	[sflag:s23] =	ssyncadd.s32 $0xFFFFF800  }
0x6f: {  	_ =	swait.ge [sflag:s24], $0x800  }
0x70: {  	s25 =	sadd.s32 $0x1, s25;
	[sflag:s24] =	ssyncset.done $0x0  }
0x71: {  	p0 =	sne.s32 s25, s10;
	[sflag:s24] =	ssyncadd.s32 $0xFFFFF800  }
.Ltmp1:
0x72: {  	[bflag:$0x0] =	sbarrier.arrive $0xFFFF;
	(pc) =	sbr.rel @p0 .LBB2_1-.Ltmp1, $4  }
0x73: {  	[hbm:s9], [sflag:s6] =	dma.local [spmem:s11], $0x500  }
0x74: {  	_ =	swait.ge [sflag:s12], $0x500  }
0x75: {  	[sflag:s12] =	ssyncset.done $0x0  }
0x76: {  	[sflag:s12] =	ssyncadd.s32 $0xFFFFFB00  }
0x77: {  	_ =	sfence.sel $0x180000  }
0x78: {  	[bflag:$0x0] =	sbarrier.arrive $0xFFFF  }
0x79: {  	p0 =	sne.s32 s0, $0x0;
	_ =	strace $0x9000004A  }
0x7a: {  	s0 =	sadd.s32 @!p0 $0x100000, s1;
	[bflag:$0x2] =	sbarrier.arrive $0xFFFF  }
0x7b: {  	[sflag:s0] =	ssyncadd.tile.s32 @!p0 $0x1;
	_ =	shalt  }
.Lfunc_end2:
_tile_overlayer_lowered:
.L_overlay_start_2:
0x7c: {  	(tag) =	ssettag $0x2  }
0x7d: {  	s0 =	rddreg [dreg:$0x0];
	s2 =	stileid.u32  }
0x7e: {  	s1 =	rddreg [dreg:$0x1];
	p0 =	sne.s32 s2, $0x0  }
0x7f: {  	s3 =	rddreg [dreg:$0x2];
	[bflag:$0x3] =	sbarrier.arrive $0xFFFF;
	s2 =	simm.s32 @!p0 $0x1C05  }
0x80: {  	[timem:s3], [sflag:s2] =	dma.local @!p0 [hbm:s0], s1  }
0x81: {  	s0 =	simm.s32 @!p0 $0x5  }
0x82: {  	_ =	swait.ge @!p0 [sflag:s0], s1  }
0x83: {  	s1 =	ssub.s32 @!p0 $0x0, s1;
	[sflag:s0] =	ssyncset.done @!p0 $0x0  }
0x84: {  	[sflag:s0] =	ssyncadd.s32 @!p0 s1  }
0x85: {  	[bflag:$0x3] =	sbarrier.arrive $0xFFFF  }
0x86: {  	_ =	shalt  }

// kernel: kernel.7.cloned.1.call-start
scs
__scs_entry_jumppad:
0x0: {  	(pc) =	sbr.rel $0x88, $3  }
0x1: {  	(tag) =	ssettag $0x0;
	lr =	simm.s32 $0x1  }
0x2: {  	[smem:$0x3F84] =	sst lr;
	_ =	strace $0xD0000000  }
0x3: {  	_ = 	snop  }
0x4: {  	_ = 	snop  }
0x5: {  	_ = 	snop  }
0x6: {  	_ = 	snop  }
0x7: {  	_ = 	snop  }
__scs_overlays_trampoline_lowered:
0x8: {  	[smem:$0x3F93] =	sst s0  }
0x9: {  	[smem:$0x3F94] =	sst s1  }
0xa: {  	[smem:$0x3F95] =	sst s2  }
0xb: {  	[smem:$0x3F96] =	sst s3  }
0xc: {  	[smem:$0x3F97] =	sst s4  }
0xd: {  	[smem:$0x3F98] =	sst s5  }
0xe: {  	[smem:$0x3F99] =	sst s6  }
0xf: {  	[smem:$0x3F9A] =	sst s7  }
0x10: {  	[smem:$0x3F9B] =	sst s8  }
0x11: {  	[smem:$0x3F9C] =	sst s9;
	s0 =	simm.s32 @!p0 $0x0  }
0x12: {  	s1 =	sld [smem:$0x3F82];
	s0 =	simm.s32 @p0 $0x1  }
0x13: {  	[smem:$0x3F9D] =	sst s0;
	s0 =	simm.s32 @!p1 $0x0  }
0x14: {  	s2 =	sld [smem:$0x3F81];
	s0 =	simm.s32 @p1 $0x1  }
0x15: {  	[smem:$0x3F9E] =	sst s0;
	s0 =	simm.s32 @!p2 $0x0  }
0x16: {  	s3 =	sld [smem:$0x3FDB];
	s0 =	simm.s32 @p2 $0x1  }
0x17: {  	s4 =	simm.s32 $0x1BF5;
	[smem:$0x3FA0] =	sst s0  }
0x18: {  	s0 =	sld [smem:$0x3F83];
	_ =	swait.ge [sflag:s4], $0x0  }
0x19: {  	s7 =	sld [smem:$0x3F84]  }
0x1a: {  	s8 =	sadd.s32 $0xFFFFE003, lr  }
0x1b: {  	s9 =	sadd.s32 $0xFFFFFEF7, lr;
	s5 =	simm.s32 $0xFFFFFFFF;
	p2 =	slt.u32 s8, $0xFFFFF086  }
0x1c: {  	p1 =	slt.u32 s9, $0xF7A;
	s5 =	simm.s32 @!p2 $0x0  }
0x1d: {  	s5 =	simm.s32 @p1 $0x1;
	p0 =	seq.s32 s7, s2  }
0x1e: {  	s7 =	smul.u32 @!p0 $0xF7A, s2;
	p2 =	seq.s32 @!p0 s5, $0x0  }
0x1f: {  	s9 =	smul.u32 $0xF7A, s1;
	s8 =	simm.s32 @!p0 $0x1BF5;
	p2 =	por !p2, p0  }
0x20: {  	[sflag:s8] =	ssyncset.s32 @!p0 $0xFFFFF086;
	s6 =	sadd.s32 @!p0 s3, s7;
	s7 =	simm.s32 @!p0 $0x108  }
0x21: {  	s3 =	sadd.s32 s3, s9;
	s6 =	sadd.s32 @!p0 $0x88, s6;
	s7 =	simm.s32 @p2 $0x1082  }
0x22: {  	[simem:s7], [sflag:s8] =	dma.local @!p0 [hbm:s6], $0xF7A  }
0x23: {  	s9 =	sor.u32 $0xD0000000, s2;
	s6 =	simm.s32 $0x108;
	_ =	swait.ge @!p0 [sflag:s8], $0x0  }
0x24: {  	s3 =	sadd.s32 $0x88, s3;
	s6 =	simm.s32 @!p1 $0x1082;
	[sflag:s4] =	ssyncset.s32 $0xFFFFF086  }
0x25: {  	[simem:s6], [sflag:s4] =	dma.local [hbm:s3], $0xF7A  }
0x26: {  	[smem:$0x3F84] =	sst s1;
	(tag) =	ssettag s2;
	_ =	strace s9  }
0x27: {  	s1 =	sld [smem:$0x3F94]  }
0x28: {  	s2 =	sld [smem:$0x3F95]  }
0x29: {  	s4 =	sld [smem:$0x3F97]  }
0x2a: {  	p0 =	seq.s32 s5, $0x0;
	s5 =	sld [smem:$0x3F98]  }
0x2b: {  	s6 =	sld [smem:$0x3F99]  }
0x2c: {  	s7 =	sld [smem:$0x3F9A]  }
0x2d: {  	s3 =	simm.s32 $0x108;
	s8 =	sld [smem:$0x3F9B]  }
0x2e: {  	s3 =	simm.s32 @!p0 $0x1082;
	s9 =	sld [smem:$0x3F9C]  }
0x2f: {  	lr =	sadd.s32 s0, s3;
	s0 =	sld [smem:$0x3F93]  }
0x30: {  	s3 =	sld [smem:$0x3F96]  }
0x31: {  	[smem:$0x3F9F] =	sst s10  }
0x32: {  	s10 =	sld [smem:$0x3F9D];
	_ =	sdelay $0x3  }
0x33: {  	p0 =	seq.s32 s10, $0x1;
	s10 =	sld [smem:$0x3F9F];
	_ =	sdelay $0x3  }
0x34: {  	[smem:$0x3F9F] =	sst s10  }
0x35: {  	s10 =	sld [smem:$0x3F9E];
	_ =	sdelay $0x3  }
0x36: {  	p1 =	seq.s32 s10, $0x1;
	s10 =	sld [smem:$0x3F9F];
	_ =	sdelay $0x3  }
0x37: {  	[smem:$0x3F9F] =	sst s10  }
0x38: {  	s10 =	sld [smem:$0x3FA0]  }
0x39: {  	_ = 	snop;
	(pc) =	sbr.ind lr, $3  }
0x3a: {  	_ = 	snop  }
0x3b: {  	_ = 	snop  }
0x3c: {  	p2 =	seq.s32 s10, $0x1;
	s10 =	sld [smem:$0x3F9F]  }
0x3d: {  	_ =	shalt  }
0x3e: {  	_ =	shalt  }
0x3f: {  	_ =	shalt  }
0x40: {  	_ =	shalt  }
0x41: {  	_ =	shalt  }
0x42: {  	_ =	shalt  }
0x43: {  	_ =	shalt  }
0x44: {  	_ =	shalt  }
0x45: {  	_ =	shalt  }
0x46: {  	_ =	shalt  }
0x47: {  	_ =	shalt  }
0x48: {  	_ =	shalt  }
0x49: {  	_ =	shalt  }
0x4a: {  	_ =	shalt  }
0x4b: {  	_ =	shalt  }
0x4c: {  	_ =	shalt  }
0x4d: {  	_ =	shalt  }
0x4e: {  	_ =	shalt  }
0x4f: {  	_ =	shalt  }
0x50: {  	_ =	shalt  }
0x51: {  	_ =	shalt  }
0x52: {  	_ =	shalt  }
0x53: {  	_ =	shalt  }
0x54: {  	_ =	shalt  }
0x55: {  	_ =	shalt  }
0x56: {  	_ =	shalt  }
0x57: {  	_ =	shalt  }
0x58: {  	_ =	shalt  }
0x59: {  	_ =	shalt  }
0x5a: {  	_ =	shalt  }
0x5b: {  	_ =	shalt  }
0x5c: {  	_ =	shalt  }
0x5d: {  	_ =	shalt  }
0x5e: {  	_ =	shalt  }
0x5f: {  	_ =	shalt  }
0x60: {  	_ =	shalt  }
0x61: {  	_ =	shalt  }
0x62: {  	_ =	shalt  }
0x63: {  	_ =	shalt  }
0x64: {  	_ =	shalt  }
0x65: {  	_ =	shalt  }
0x66: {  	_ =	shalt  }
0x67: {  	_ =	shalt  }
0x68: {  	_ =	shalt  }
0x69: {  	_ =	shalt  }
0x6a: {  	_ =	shalt  }
0x6b: {  	_ =	shalt  }
0x6c: {  	_ =	shalt  }
0x6d: {  	_ =	shalt  }
0x6e: {  	_ =	shalt  }
0x6f: {  	_ =	shalt  }
0x70: {  	_ =	shalt  }
0x71: {  	_ =	shalt  }
0x72: {  	_ =	shalt  }
0x73: {  	_ =	shalt  }
0x74: {  	_ =	shalt  }
0x75: {  	_ =	shalt  }
0x76: {  	_ =	shalt  }
0x77: {  	_ =	shalt  }
0x78: {  	_ =	shalt  }
0x79: {  	_ =	shalt  }
0x7a: {  	_ =	shalt  }
0x7b: {  	_ =	shalt  }
0x7c: {  	_ =	shalt  }
0x7d: {  	_ =	shalt  }
0x7e: {  	_ =	shalt  }
0x7f: {  	_ =	shalt  }
0x80: {  	_ =	shalt  }
0x81: {  	_ =	shalt  }
0x82: {  	_ =	shalt  }
0x83: {  	_ =	shalt  }
0x84: {  	_ =	shalt  }
0x85: {  	_ =	shalt  }
0x86: {  	_ =	shalt  }
0x87: {  	_ =	shalt  }
.Lfunc_end0:
.L_simem_size_0:
called_computation_lowered:
.L_overlay_start_0:
0x88: {  	s2 =	sld [smem:$0x3FD9]  }
0x89: {  	s3 =	sld [smem:$0x3FFE];
	_ =	sdelay $0x1  }
0x8a: {  	s1 =	srdreg.scid  }
0x8b: {  	s0 =	sand.u32 $0x1, s1  }
0x8c: {  	s14 =	sshll.u32 s0, $0xA;
	s2 =	sadd.s32 s3, s2  }
0x8d: {  	s2 =	sadd.s32 s2, s14  }
0x8e: {  	[smem:$0x3FAB] =	sst s2  }
0x8f: {  	_ = 	snop  }
0x90: {  	s2 =	sld [smem:$0x3FD0];
	_ =	sdelay $0x2  }
0x91: {  	s15 =	simm.s32 $0xA;
	s4 =	simm.s32 $0x10  }
0x92: {  	[smem:s4], [sflag:s15] =	dma.local [hbm:s2], $0x1  }
0x93: {  	_ =	swait.eq [sflag:s15], $0x1  }
0x94: {  	[sflag:s15] =	ssyncset.done $0x0  }
0x95: {  	s16 =	sld [smem:$0x11];
	[sflag:s15] =	ssyncadd.s32 $0xFFFFFFFF  }
0x96: {  	s17 =	sld [smem:$0x12];
	(tm) =	ssettm $0x1  }
0x97: {  	s18 =	sld [smem:$0x3FFB];
	_ =	sdelay $0x3  }
0x98: {  	_ =	strace s18  }
0x99: {  	s4 =	sld [smem:$0x3FFC];
	_ =	sdelay $0x3  }
0x9a: {  	_ =	strace s4  }
0x9b: {  	s4 =	sld [smem:$0x3FFD];
	_ =	sdelay $0x3  }
0x9c: {  	_ =	strace s4  }
0x9d: {  	_ =	strace $0x8FFFFFFF  }
0x9e: {  	s19 =	sld [smem:$0x3FDB];
	_ =	sdelay $0x1  }
0x9f: {  	s5 =	simm.s32 $_scs_section_size  }
0xa0: {  	s6 =	simm.s32 $_size__tile_overlayer_lowered;
	s7 =	simm.s32 $_tile_overlayer_lowered  }
0xa1: {  	s22 =	simm.s32 $0x1BFF;
	s21 =	sshll.u32 s7, $0x1;
	s4 =	sadd.s32 s5, s19  }
0xa2: {  	s8 =	simm.s32 $0x0;
	s20 =	sshll.u32 s6, $0x1;
	s6 =	sadd.s32 s21, s4  }
0xa3: {  	[timem:s8], [sflag:s22] =	dma.local [hbm:s6], s20  }
0xa4: {  	_ =	swait.ge [sflag:s22], s20  }
0xa5: {  	s5 =	ssub.s32 $0x0, s20;
	[sflag:s22] =	ssyncset.done $0x0  }
0xa6: {  	[sflag:s22] =	ssyncadd.s32 s5;
	_ =	sdelay $0x1  }
0xa7: {  	s23 =	simm.s32 $0x1B8B  }
0xa8: {  	_ =	swait.ge [sflag:s23], $0x1  }
0xa9: {  	[sflag:s23] =	ssyncset.done $0x0  }
0xaa: {  	s25 =	simm.s32 $0x1B8E;
	s24 =	sld [smem:$0x3FFE];
	[sflag:s23] =	ssyncadd.s32 $0xFFFFFFFF  }
0xab: {  	s26 =	simm.s32 $execute0_lowered;
	[smem:$0x3FD2] =	sst s25  }
0xac: {  	s6 =	sshll.u32 s26, $0x1;
	_ =	strace $0x80000046;
	[dreg:$0x1] =	wrdreg $0xFFFFFFFF  }
0xad: {  	s28 =	simm.s32 $_size_execute0_lowered;
	s4 =	sadd.s32 s4, s6;
	[dreg:$0x0] =	wrdreg $0x0  }
0xae: {  	s6 =	sshll.u32 s28, $0x1;
	[dreg:$0x2] =	wrdreg s4  }
0xaf: {  	[dreg:$0x3] =	wrdreg s6  }
0xb0: {  	[dreg:$0x4] =	wrdreg $0xC0  }
0xb1: {  	_ =	task [dreg:s8], $0x5FFFF  }
0xb2: {  	[dreg:$0x1] =	wrdreg $0xFFFFFFFF  }
0xb3: {  	[dreg:$0x0] =	wrdreg $0x60  }
0xb4: {  	[dreg:$0x2] =	wrdreg s24  }
0xb5: {  	[dreg:$0x3] =	wrdreg s16  }
0xb6: {  	[dreg:$0x4] =	wrdreg s17  }
0xb7: {  	[dreg:$0x5] =	wrdreg $0x74800  }
0xb8: {  	[dreg:$0x6] =	wrdreg $0x9C800  }
0xb9: {  	[dreg:$0x7] =	wrdreg $0x9  }
0xba: {  	_ =	task.clear_ibuf [dreg:s8], $0x8FFFF;
	_ =	strace $0x90000046  }
0xbb: {  	s29 =	simm.s32 $0x9;
	_ =	strace $0x80000048  }
0xbc: {  	_ =	swait.ge [sflag:s29], $0x1  }
0xbd: {  	[sflag:s29] =	ssyncadd.s32 $0xFFFFFFFF  }
0xbe: {  	_ =	strace $0x90000048  }
0xbf: {  	_ =	sfence  }
0xc0: {  	s30 =	sld [smem:$0x0];
	_ =	sdelay $0x2  }
0xc1: {  	s31 =	sshll.u32 s1, $0xD;
	s1 =	sshrl.u32 s1, $0x2  }
0xc2: {  	s3 =	sand.u32 $0x4000, s31;
	s1 =	sadd.s32 s1, s30  }
0xc3: {  	s0 =	sor.u32 s3, s0;
	s1 =	sshll.u32 s1, $0x11  }
0xc4: {  	s0 =	sor.u32 s1, s0  }
0xc5: {  	s0 =	sadd.s32 $0x8F2B, s0  }
0xc6: {  	[sflag:s0] =	ssyncadd.remote.s32 $0x1  }
0xc7: {  	_ =	sfence.sel $0xFFFF  }
0xc8: {  	[dreg:$0x0] =	wrdreg $0xFFFFFFFF;
	(pc) =	sbr.abs _section_cstart, $3  }
0xc9: {  	[dreg:$0x1] =	wrdreg $0xFFFFFFFF  }
0xca: {  	_ =	task.clear_ibuf [dreg:s8], $0x2FFFF;
	_ =	strace $0x9FFFFFFF  }
0xcb: {  	(tm) =	ssettm $0x7FFFFFFF  }
tec
execute0_lowered:
.L_overlay_start_1:
0x0: {  	(tag) =	ssettag $0x1  }
0x1: {  	s1 =	rddreg [dreg:$0x0]  }
0x2: {  	s0 =	srdreg.scid;
	s4 =	rddreg [dreg:$0x3]  }
0x3: {  	s3 =	stileid.u32;
	s5 =	rddreg [dreg:$0x4];
	s6 =	simm.s32 $0x0  }
0x4: {  	s16 =	simm.s32 $0x5;
	s18 =	simm.s32 $0x7400;
	s19 =	simm.s32 $0x2A00  }
0x5: {  	s20 =	simm.s32 $0x80;
	s21 =	simm.s32 $0x5400;
	s22 =	simm.s32 $0x5C00  }
0x6: {  	s23 =	simm.s32 $0x100;
	s24 =	simm.s32 $0x6400;
	s28 =	simm.s32 $0x1  }
0x7: {  	s29 =	simm.s32 $0x2;
	s30 =	simm.s32 $0x3;
	s31 =	simm.s32 $0x4  }
0x8: {  	s0 =	sand.u32 $0x1, s0;
	s2 =	sshll.u32 s3, $0x1;
	s9 =	smul.u32 $0x2800, s3  }
0x9: {  	s11 =	smul.u32 $0x280, s3;
	[smem:$0x7FF] =	sst s6;
	s7 =	sadd.s32 $0x19A00, s1  }
0xa: {  	s8 =	sadd.s32 $0x1EA00, s1;
	s26 =	sshll.u32 s3, $0x6;
	s10 =	smul.u32 $0x28000, s0  }
0xb: {  	s2 =	sor.u32 s0, s2;
	s12 =	smul.u32 $0x2800, s0;
	s0 =	ssub.s32 $0x2, s0  }
0xc: {  	_ =	strace $0x80000047;
	s2 =	smul.u32 $0x540, s2;
	s25 =	sshrl.u32 s0, $0x1  }
0xd: {  	s15 =	sadd.s32 s9, s4;
	s17 =	sadd.s32 s11, s5;
	s10 =	sadd.s32 s9, s10  }
0xe: {  	s12 =	sadd.s32 s11, s12;
	s0 =	ssub.s32 s0, s25;
	s9 =	sor.u32 $0x1C05, s26  }
0xf: {  	s15 =	sshrl.u32 s15, $0x3;
	s17 =	sshrl.u32 s17, $0x3;
	s25 =	simm.s32 $0x180  }
0x10: {  	s26 =	simm.s32 $0x6C00;
	s2 =	sadd.s32 s2, s1;
	s10 =	sshrl.u32 s10, $0x3  }
0x11: {  	s12 =	sshrl.u32 s12, $0x3;
	s14 =	smax.u32 s0, $0x1;
	s13 =	sadd.s32 s10, s1  }
0x12: {  	s1 =	sadd.s32 s12, s1;
	s10 =	sadd.s32 $0xF200, s2;
	s11 =	sadd.s32 $0x4A00, s2  }
0x13: {  	s2 =	simm.s32 $0x0;
	s12 =	sadd.s32 $0x1FA00, s13;
	s13 =	sadd.s32 $0x1F000, s1  }
.LBB2_1:
0x14: {  	[spmem:s15], [sflag:s9] =	dma.local [hbm:s8], $0x500  }
0x15: {  	_ =	swait.ge [sflag:s16], $0x500  }
0x16: {  	[sflag:s16] =	ssyncset.done $0x0  }
0x17: {  	[sflag:s16] =	ssyncadd.s32 $0xFFFFFB00  }
0x18: {  	s0 =	rddreg [dreg:$0x1]  }
0x19: {  	[spmem:s17], [sflag:s9] =	dma.local [hbm:s0], $0x50  }
0x1a: {  	_ =	swait.ge [sflag:s16], $0x50  }
0x1b: {  	[sflag:s16] =	ssyncset.done $0x0  }
0x1c: {  	[sflag:s16] =	ssyncadd.s32 $0xFFFFFFB0  }
0x1d: {  	s1 =	rddreg [dreg:$0x2]  }
0x1e: {  	[tilespmem:s18], [sflag:$0x5] =	stream.linear.gather [hbm4b:s1+s6], $0x80, $0x38;
	[tilespmem:$0x9F00] =	vst v63  }
0x1f: {  	_ =	swait.ge [sflag:s16], $0x80  }
0x20: {  	[sflag:s16] =	ssyncset.done $0x0  }
0x21: {  	[sflag:s16] =	ssyncadd.s32 $0xFFFFFF80  }
0x22: {  	[tilespmem:s6], [sflag:$0x5] =	stream.linear.gather [hbm4b:s10+s6], $0x2A00, $0x38;
	[tilespmem:$0x9F00] =	vst v63  }
0x23: {  	_ =	swait.ge [sflag:s16], $0x2A00  }
0x24: {  	[sflag:s16] =	ssyncset.done $0x0  }
0x25: {  	[sflag:s16] =	ssyncadd.s32 $0xFFFFD600  }
0x26: {  	[tilespmem:s19], [sflag:$0x5] =	stream.linear.gather [hbm4b:s11+s6], $0x2A00, $0x38;
	[tilespmem:$0x9F00] =	vst v63  }
0x27: {  	_ =	swait.ge [sflag:s16], $0x2A00  }
0x28: {  	[sflag:s16] =	ssyncset.done $0x0  }
0x29: {  	[sflag:s16] =	ssyncadd.s32 $0xFFFFD600  }
0x2a: {  	[bflag:$0x0] =	sbarrier.arrive $0xFFFF  }
0x2b: {  	[tilespmem:s21], [sflag:$0x1] =	stream.indirect.gather [hbm4b:s7+s20], $0x10, s6, s20, $0xb8;
	[tilespmem:$0x9F00] =	vst v63  }
0x2c: {  	_ = 	snop  }
0x2d: {  	[tilespmem:s22], [sflag:$0x2] =	stream.indirect.gather [hbm4b:s7+s20], $0x10, s20, s20, $0xb8;
	[tilespmem:$0x9F00] =	vst v63  }
0x2e: {  	_ = 	snop  }
0x2f: {  	[tilespmem:s24], [sflag:$0x3] =	stream.indirect.gather [hbm4b:s7+s20], $0x10, s23, s20, $0xb8;
	[tilespmem:$0x9F00] =	vst v63  }
0x30: {  	_ = 	snop  }
0x31: {  	[tilespmem:s26], [sflag:$0x4] =	stream.indirect.gather [hbm4b:s7+s20], $0x10, s25, s20, $0xb8;
	[tilespmem:$0x9F00] =	vst v63  }
0x32: {  	_ =	swait.ge [sflag:s28], $0x800  }
0x33: {  	[sflag:s28] =	ssyncset.done $0x0  }
0x34: {  	s3 =	simm.s32 $0x2A00;
	[sflag:s28] =	ssyncadd.s32 $0xFFFFF800  }
0x35: {  	[spmem:s4] =	stream.indirect.scatter.add.f32 [tilespmem:s21], [sflag:$0x5], $0x10, s3, s20, $0xb8;
	[tilespmem:$0x9F00] =	vst v63  }
0x36: {  	_ =	swait.ge [sflag:s16], $0x800  }
0x37: {  	[sflag:s16] =	ssyncset.done $0x0  }
0x38: {  	[sflag:s16] =	ssyncadd.s32 $0xFFFFF800  }
0x39: {  	[spmem:s5] =	stream.indirect.scatter.add.f32 [tilespmem:s18], [sflag:$0x5], $0x1, s3, s20, $0xb8;
	[tilespmem:$0x9F00] =	vst v63  }
0x3a: {  	_ =	swait.ge [sflag:s16], $0x80  }
0x3b: {  	[sflag:s16] =	ssyncset.done $0x0  }
0x3c: {  	s1 =	simm.s32 $0x200;
	[sflag:s16] =	ssyncadd.s32 $0xFFFFFF80  }
0x3d: {  	[tilespmem:s21], [sflag:$0x1] =	stream.indirect.gather [hbm4b:s7+s20], $0x10, s1, s20, $0xb8;
	[tilespmem:$0x9F00] =	vst v63  }
0x3e: {  	_ =	swait.ge [sflag:s29], $0x800  }
0x3f: {  	[sflag:s29] =	ssyncset.done $0x0  }
0x40: {  	s3 =	simm.s32 $0x2A80;
	[sflag:s29] =	ssyncadd.s32 $0xFFFFF800  }
0x41: {  	[spmem:s4] =	stream.indirect.scatter.add.f32 [tilespmem:s22], [sflag:$0x5], $0x10, s3, s20, $0xb8;
	[tilespmem:$0x9F00] =	vst v63  }
0x42: {  	_ =	swait.ge [sflag:s16], $0x800  }
0x43: {  	[sflag:s16] =	ssyncset.done $0x0  }
0x44: {  	[sflag:s16] =	ssyncadd.s32 $0xFFFFF800  }
0x45: {  	[spmem:s5] =	stream.indirect.scatter.add.f32 [tilespmem:s18], [sflag:$0x5], $0x1, s3, s20, $0xb8;
	[tilespmem:$0x9F00] =	vst v63  }
0x46: {  	_ =	swait.ge [sflag:s16], $0x80  }
0x47: {  	[sflag:s16] =	ssyncset.done $0x0  }
0x48: {  	s1 =	simm.s32 $0x280;
	[sflag:s16] =	ssyncadd.s32 $0xFFFFFF80  }
0x49: {  	[tilespmem:s22], [sflag:$0x2] =	stream.indirect.gather [hbm4b:s7+s20], $0x10, s1, s20, $0xb8;
	[tilespmem:$0x9F00] =	vst v63  }
0x4a: {  	_ =	swait.ge [sflag:s30], $0x800  }
0x4b: {  	[sflag:s30] =	ssyncset.done $0x0  }
0x4c: {  	s3 =	simm.s32 $0x2B00;
	[sflag:s30] =	ssyncadd.s32 $0xFFFFF800  }
0x4d: {  	[spmem:s4] =	stream.indirect.scatter.add.f32 [tilespmem:s24], [sflag:$0x5], $0x10, s3, s20, $0xb8;
	[tilespmem:$0x9F00] =	vst v63  }
0x4e: {  	_ =	swait.ge [sflag:s16], $0x800  }
0x4f: {  	[sflag:s16] =	ssyncset.done $0x0  }
0x50: {  	[sflag:s16] =	ssyncadd.s32 $0xFFFFF800  }
0x51: {  	[spmem:s5] =	stream.indirect.scatter.add.f32 [tilespmem:s18], [sflag:$0x5], $0x1, s3, s20, $0xb8;
	[tilespmem:$0x9F00] =	vst v63  }
0x52: {  	_ =	swait.ge [sflag:s16], $0x80  }
0x53: {  	[sflag:s16] =	ssyncset.done $0x0  }
0x54: {  	s1 =	simm.s32 $0x300;
	[sflag:s16] =	ssyncadd.s32 $0xFFFFFF80  }
0x55: {  	[tilespmem:s24], [sflag:$0x3] =	stream.indirect.gather [hbm4b:s7+s20], $0x10, s1, s20, $0xb8;
	[tilespmem:$0x9F00] =	vst v63  }
0x56: {  	_ =	swait.ge [sflag:s31], $0x800  }
0x57: {  	[sflag:s31] =	ssyncset.done $0x0  }
0x58: {  	s3 =	simm.s32 $0x2B80;
	[sflag:s31] =	ssyncadd.s32 $0xFFFFF800  }
0x59: {  	[spmem:s4] =	stream.indirect.scatter.add.f32 [tilespmem:s26], [sflag:$0x5], $0x10, s3, s20, $0xb8;
	[tilespmem:$0x9F00] =	vst v63  }
0x5a: {  	_ =	swait.ge [sflag:s16], $0x800  }
0x5b: {  	[sflag:s16] =	ssyncset.done $0x0  }
0x5c: {  	[sflag:s16] =	ssyncadd.s32 $0xFFFFF800  }
0x5d: {  	[spmem:s5] =	stream.indirect.scatter.add.f32 [tilespmem:s18], [sflag:$0x5], $0x1, s3, s20, $0xb8;
	[tilespmem:$0x9F00] =	vst v63  }
0x5e: {  	_ =	swait.ge [sflag:s16], $0x80  }
0x5f: {  	[sflag:s16] =	ssyncset.done $0x0  }
0x60: {  	s0 =	simm.s32 $0x800;
	s1 =	simm.s32 $0x380;
	[sflag:s16] =	ssyncadd.s32 $0xFFFFFF80  }
.LBB2_2:
0x61: {  	[tilespmem:s26], [sflag:$0x4] =	stream.indirect.gather [hbm4b:s7+s20], $0x10, s1, s20, $0xb8;
	[tilespmem:$0x9F00] =	vst v63  }
0x62: {  	s1 =	smov.u32 s0  }
0x63: {  	p0 =	sne.s32 s0, $0x9800;
	s0 =	sadd.s32 $0x800, s0;
	_ =	swait.ge [sflag:s28], $0x800  }
0x64: {  	s1 =	sshra.s32 s1, $0x2;
	[sflag:s28] =	ssyncset.done $0x0  }
0x65: {  	s3 =	sadd.s32 $0x2A00, s1;
	[sflag:s28] =	ssyncadd.s32 $0xFFFFF800  }
0x66: {  	[spmem:s4] =	stream.indirect.scatter.add.f32 [tilespmem:s21], [sflag:$0x5], $0x10, s3, s20, $0xb8;
	[tilespmem:$0x9F00] =	vst v63  }
0x67: {  	_ =	swait.ge [sflag:s16], $0x800  }
0x68: {  	[sflag:s16] =	ssyncset.done $0x0  }
0x69: {  	[sflag:s16] =	ssyncadd.s32 $0xFFFFF800  }
0x6a: {  	[spmem:s5] =	stream.indirect.scatter.add.f32 [tilespmem:s18], [sflag:$0x5], $0x1, s3, s20, $0xb8;
	[tilespmem:$0x9F00] =	vst v63  }
0x6b: {  	_ =	swait.ge [sflag:s16], $0x80  }
0x6c: {  	[sflag:s16] =	ssyncset.done $0x0  }
0x6d: {  	s3 =	sadd.s32 $0x200, s1;
	[sflag:s16] =	ssyncadd.s32 $0xFFFFFF80  }
0x6e: {  	[tilespmem:s21], [sflag:$0x1] =	stream.indirect.gather [hbm4b:s7+s20], $0x10, s3, s20, $0xb8;
	[tilespmem:$0x9F00] =	vst v63  }
0x6f: {  	_ =	swait.ge [sflag:s29], $0x800  }
0x70: {  	[sflag:s29] =	ssyncset.done $0x0  }
0x71: {  	s3 =	sadd.s32 $0x2A80, s1;
	[sflag:s29] =	ssyncadd.s32 $0xFFFFF800  }
0x72: {  	[spmem:s4] =	stream.indirect.scatter.add.f32 [tilespmem:s22], [sflag:$0x5], $0x10, s3, s20, $0xb8;
	[tilespmem:$0x9F00] =	vst v63  }
0x73: {  	_ =	swait.ge [sflag:s16], $0x800  }
0x74: {  	[sflag:s16] =	ssyncset.done $0x0  }
0x75: {  	[sflag:s16] =	ssyncadd.s32 $0xFFFFF800  }
0x76: {  	[spmem:s5] =	stream.indirect.scatter.add.f32 [tilespmem:s18], [sflag:$0x5], $0x1, s3, s20, $0xb8;
	[tilespmem:$0x9F00] =	vst v63  }
0x77: {  	_ =	swait.ge [sflag:s16], $0x80  }
0x78: {  	[sflag:s16] =	ssyncset.done $0x0  }
0x79: {  	s3 =	sadd.s32 $0x280, s1;
	[sflag:s16] =	ssyncadd.s32 $0xFFFFFF80  }
0x7a: {  	[tilespmem:s22], [sflag:$0x2] =	stream.indirect.gather [hbm4b:s7+s20], $0x10, s3, s20, $0xb8;
	[tilespmem:$0x9F00] =	vst v63  }
0x7b: {  	_ =	swait.ge [sflag:s30], $0x800  }
0x7c: {  	[sflag:s30] =	ssyncset.done $0x0  }
0x7d: {  	s3 =	sadd.s32 $0x2B00, s1;
	[sflag:s30] =	ssyncadd.s32 $0xFFFFF800  }
0x7e: {  	[spmem:s4] =	stream.indirect.scatter.add.f32 [tilespmem:s24], [sflag:$0x5], $0x10, s3, s20, $0xb8;
	[tilespmem:$0x9F00] =	vst v63  }
0x7f: {  	_ =	swait.ge [sflag:s16], $0x800  }
0x80: {  	[sflag:s16] =	ssyncset.done $0x0  }
0x81: {  	[sflag:s16] =	ssyncadd.s32 $0xFFFFF800  }
0x82: {  	[spmem:s5] =	stream.indirect.scatter.add.f32 [tilespmem:s18], [sflag:$0x5], $0x1, s3, s20, $0xb8;
	[tilespmem:$0x9F00] =	vst v63  }
0x83: {  	_ =	swait.ge [sflag:s16], $0x80  }
0x84: {  	[sflag:s16] =	ssyncset.done $0x0  }
0x85: {  	s3 =	sadd.s32 $0x300, s1;
	[sflag:s16] =	ssyncadd.s32 $0xFFFFFF80  }
0x86: {  	[tilespmem:s24], [sflag:$0x3] =	stream.indirect.gather [hbm4b:s7+s20], $0x10, s3, s20, $0xb8;
	[tilespmem:$0x9F00] =	vst v63  }
0x87: {  	_ =	swait.ge [sflag:s31], $0x800  }
0x88: {  	[sflag:s31] =	ssyncset.done $0x0  }
0x89: {  	s3 =	sadd.s32 $0x2B80, s1;
	[sflag:s31] =	ssyncadd.s32 $0xFFFFF800  }
0x8a: {  	[spmem:s4] =	stream.indirect.scatter.add.f32 [tilespmem:s26], [sflag:$0x5], $0x10, s3, s20, $0xb8;
	[tilespmem:$0x9F00] =	vst v63  }
0x8b: {  	_ =	swait.ge [sflag:s16], $0x800  }
0x8c: {  	[sflag:s16] =	ssyncset.done $0x0  }
.Ltmp0:
0x8d: {  	[sflag:s16] =	ssyncadd.s32 $0xFFFFF800;
	(pc) =	sbr.rel @p0 .LBB2_2-.Ltmp0, $4  }
0x8e: {  	[spmem:s5] =	stream.indirect.scatter.add.f32 [tilespmem:s18], [sflag:$0x5], $0x1, s3, s20, $0xb8;
	[tilespmem:$0x9F00] =	vst v63  }
0x8f: {  	_ =	swait.ge [sflag:s16], $0x80  }
0x90: {  	[sflag:s16] =	ssyncset.done $0x0  }
0x91: {  	s1 =	sadd.s32 $0x380, s1;
	[sflag:s16] =	ssyncadd.s32 $0xFFFFFF80  }
0x92: {  	[tilespmem:s26], [sflag:$0x4] =	stream.indirect.gather [hbm4b:s7+s20], $0x10, s1, s20, $0xb8;
	[tilespmem:$0x9F00] =	vst v63  }
0x93: {  	_ =	swait.ge [sflag:s28], $0x800  }
0x94: {  	[sflag:s28] =	ssyncset.done $0x0  }
0x95: {  	[sflag:s28] =	ssyncadd.s32 $0xFFFFF800  }
0x96: {  	_ =	swait.ge [sflag:s29], $0x800  }
0x97: {  	[sflag:s29] =	ssyncset.done $0x0  }
0x98: {  	[sflag:s29] =	ssyncadd.s32 $0xFFFFF800  }
0x99: {  	_ =	swait.ge [sflag:s30], $0x800  }
0x9a: {  	[sflag:s30] =	ssyncset.done $0x0  }
0x9b: {  	[sflag:s30] =	ssyncadd.s32 $0xFFFFF800  }
0x9c: {  	_ =	swait.ge [sflag:s31], $0x800  }
0x9d: {  	[sflag:s31] =	ssyncset.done $0x0  }
0x9e: {  	[sflag:s31] =	ssyncadd.s32 $0xFFFFF800  }
0x9f: {  	[bflag:$0x0] =	sbarrier.arrive $0xFFFF  }
0xa0: {  	[hbm:s12], [sflag:s9] =	dma.local [spmem:s15], $0x500  }
0xa1: {  	s2 =	sadd.s32 $0x1, s2;
	_ =	swait.ge [sflag:s16], $0x500  }
0xa2: {  	p0 =	sne.s32 s2, s14;
	[sflag:s16] =	ssyncset.done $0x0  }
.Ltmp1:
0xa3: {  	[sflag:s16] =	ssyncadd.s32 $0xFFFFFB00;
	(pc) =	sbr.rel @p0 .LBB2_1-.Ltmp1, $4  }
0xa4: {  	[hbm:s13], [sflag:s9] =	dma.local [spmem:s17], $0x50  }
0xa5: {  	_ =	swait.ge [sflag:s16], $0x50  }
0xa6: {  	[sflag:s16] =	ssyncset.done $0x0  }
0xa7: {  	[sflag:s16] =	ssyncadd.s32 $0xFFFFFFB0  }
0xa8: {  	_ =	sfence.sel $0x180000  }
0xa9: {  	[bflag:$0x0] =	sbarrier.arrive $0xFFFF  }
0xaa: {  	_ =	strace $0x90000047  }
0xab: {  	s0 =	stileid.u32;
	[bflag:$0x2] =	sbarrier.arrive $0xFFFF  }
0xac: {  	p0 =	sne.s32 s0, $0x0;
	s0 =	rddreg [dreg:$0x5]  }
0xad: {  	s0 =	sadd.s32 @!p0 $0x100000, s0  }
0xae: {  	[sflag:s0] =	ssyncadd.tile.s32 @!p0 $0x1;
	_ =	shalt  }
.Lfunc_end2:
_tile_overlayer_lowered:
.L_overlay_start_2:
0xaf: {  	(tag) =	ssettag $0x2  }
0xb0: {  	s0 =	rddreg [dreg:$0x0];
	s2 =	stileid.u32  }
0xb1: {  	s1 =	rddreg [dreg:$0x1];
	p0 =	sne.s32 s2, $0x0  }
0xb2: {  	s3 =	rddreg [dreg:$0x2];
	[bflag:$0x3] =	sbarrier.arrive $0xFFFF;
	s2 =	simm.s32 @!p0 $0x1C05  }
0xb3: {  	[timem:s3], [sflag:s2] =	dma.local @!p0 [hbm:s0], s1  }
0xb4: {  	s0 =	simm.s32 @!p0 $0x5  }
0xb5: {  	_ =	swait.ge @!p0 [sflag:s0], s1  }
0xb6: {  	s1 =	ssub.s32 @!p0 $0x0, s1;
	[sflag:s0] =	ssyncset.done @!p0 $0x0  }
0xb7: {  	[sflag:s0] =	ssyncadd.s32 @!p0 s1  }
0xb8: {  	[bflag:$0x3] =	sbarrier.arrive $0xFFFF  }
0xb9: {  	_ =	shalt  }

</sc_bundles>
